<compile_context>
chip_gen: v7x
topology: tpu7x:2x2x1
jax: 0.10.2.dev20260603
libtpu: 0.0.44.dev20260713+nightly
codegen_flags: <defaults>
</compile_context>

<pallas_src>
import functools

import jax
import jax.numpy as jnp
from jax import lax
from jax.experimental import pallas as pl
from jax.experimental.pallas import tpu as pltpu
from jax.experimental.pallas import tpu_sc as plsc

ALPHA = 1.0
BETA = 0.3
GAMMA = 0.5
DELTA = 0.2
EMAX = 4.0
LAM = 0.5

N = 10000
E = 320000
D = 128

NC = 2
NS = 16
NW = NC * NS
EPW = E // NW
CHUNK = 80
NCHUNK = EPW // CHUNK
GROUPS = CHUNK // 16


DW = D // 2


def _rne_pack(a, b):
    ua = lax.bitcast_convert_type(a, jnp.uint32)
    ub = lax.bitcast_convert_type(b, jnp.uint32)
    ra = ua + jnp.uint32(0x7FFF) + ((ua >> 16) & jnp.uint32(1))
    rb = ub + jnp.uint32(0x7FFF) + ((ub >> 16) & jnp.uint32(1))
    w = (ra >> 16) | (rb & jnp.uint32(0xFFFF0000))
    return lax.bitcast_convert_type(w, jnp.int32)


_GB = 10
_RB = N // _GB


def _dense_body(phi_ref, amp_ref, my_ref, mu_ref, pos_ref,
                cos_ref, sin_ref, packed_ref,
                s1_ref, s2_ref, s3_ref, s4_ref):
    i = pl.program_id(0)

    @pl.when(i == 0)
    def _once():
        p = phi_ref[...]
        cos_ref[...] = jnp.cos(p)
        sin_ref[...] = jnp.sin(p)
        a = amp_ref[...]
        e = 0.5 * a * a
        s1_ref[0, 0] = jnp.sum(e)
        s2_ref[0, 0] = jnp.sum(e * e)
        r = jnp.maximum(e - EMAX, 0.0)
        s3_ref[0, 0] = jnp.sum(r * r)
        s4_ref[0, 0] = 0.0

    dm = my_ref[...] - mu_ref[...]
    s4_ref[0, 0] += jnp.sum(dm * dm)
    packed_ref[...] = _rne_pack(pos_ref[:, :DW], pos_ref[:, DW:])


_scalar_spec = pl.BlockSpec((1, 1), lambda i: (0, 0),
                            memory_space=pltpu.SMEM)

_dense_call = pl.pallas_call(
    _dense_body,
    grid=(_GB,),
    in_specs=[
        pl.BlockSpec((N,), lambda i: (0,)),
        pl.BlockSpec((N,), lambda i: (0,)),
        pl.BlockSpec((_RB, D), lambda i: (i, 0)),
        pl.BlockSpec((_RB, D), lambda i: (i, 0)),
        pl.BlockSpec((_RB, D), lambda i: (i, 0)),
    ],
    out_shape=(
        jax.ShapeDtypeStruct((N,), jnp.float32),
        jax.ShapeDtypeStruct((N,), jnp.float32),
        jax.ShapeDtypeStruct((N, DW), jnp.int32),
        jax.ShapeDtypeStruct((1, 1), jnp.float32),
        jax.ShapeDtypeStruct((1, 1), jnp.float32),
        jax.ShapeDtypeStruct((1, 1), jnp.float32),
        jax.ShapeDtypeStruct((1, 1), jnp.float32),
    ),
    out_specs=(
        pl.BlockSpec((N,), lambda i: (0,)),
        pl.BlockSpec((N,), lambda i: (0,)),
        pl.BlockSpec((_RB, DW), lambda i: (i, 0)),
        _scalar_spec, _scalar_spec, _scalar_spec, _scalar_spec,
    ),
)


def _edge_body(edge_hbm, cos_hbm, sin_hbm, pos_hbm,
               out_hbm,
               src_v, dst_v, cos_v, sin_v,
               rs0, rd0, rs1, rd1, st2,
               sem_s0, sem_d0, sem_s1, sem_d1):
    c = lax.axis_index("c")
    s = lax.axis_index("s")
    wid = s * NC + c
    base = wid * EPW

    pltpu.async_copy(edge_hbm.at[0, pl.ds(base, EPW)], src_v, sem_s0)
    pltpu.async_copy(edge_hbm.at[1, pl.ds(base, EPW)], dst_v, sem_d0)
    pltpu.async_copy(cos_hbm, cos_v, sem_s1)
    pltpu.async_copy(sin_hbm, sin_v, sem_d1)
    pltpu.make_async_copy(edge_hbm.at[0, pl.ds(base, EPW)], src_v,
                          sem_s0).wait()
    pltpu.make_async_copy(edge_hbm.at[1, pl.ds(base, EPW)], dst_v,
                          sem_d0).wait()

    bufs = ((rs0, rd0, sem_s0, sem_d0), (rs1, rd1, sem_s1, sem_d1))

    def fire(chunk_idx, b):
        rs, rd, ss, sd = bufs[b]
        off = chunk_idx * CHUNK
        pltpu.async_copy(pos_hbm.at[src_v.at[pl.ds(off, CHUNK)]], rs, ss)
        pltpu.async_copy(pos_hbm.at[dst_v.at[pl.ds(off, CHUNK)]], rd, sd)

    def wait(b):
        rs, rd, ss, sd = bufs[b]
        pltpu.make_async_copy(pos_hbm.at[pl.ds(0, CHUNK)], rs, ss).wait()
        pltpu.make_async_copy(pos_hbm.at[pl.ds(0, CHUNK)], rd, sd).wait()

    mask_hi = jnp.full((16,), -65536, jnp.int32)

    def process(chunk_idx, b, carry):
        rs, rd, _, _ = bufs[b]
        off = chunk_idx * CHUNK

        def phase_body(g, accp):
            og = off + g * 16
            si = src_v[pl.ds(og, 16)]
            di = dst_v[pl.ds(og, 16)]
            cs = plsc.load_gather(cos_v, [si])
            cd = plsc.load_gather(cos_v, [di])
            ss_ = plsc.load_gather(sin_v, [si])
            sd_ = plsc.load_gather(sin_v, [di])
            return accp + (cs * cd + ss_ * sd_)

        def row_body(t, carry):
            accs = list(carry)
            for e2 in range(2):
                row = 2 * t + e2
                for k in range(4):
                    ps = plsc.bitcast(rs[row, pl.ds(16 * k, 16)],
                                      jnp.bfloat16)
                    pd = plsc.bitcast(rd[row, pl.ds(16 * k, 16)],
                                      jnp.bfloat16)
                    dif = ps - pd
                    d2 = dif * dif
                    u = plsc.bitcast(d2, jnp.int32)
                    hi = plsc.bitcast(u & mask_hi, jnp.float32)
                    lo = plsc.bitcast(lax.shift_left(u, 16), jnp.float32)
                    accs[k % 2] = accs[k % 2] + hi
                    accs[2 + k % 2] = accs[2 + k % 2] + lo
            return tuple(accs)

        accp = lax.fori_loop(0, CHUNK // 16, phase_body, carry[0])
        accg = lax.fori_loop(0, CHUNK // 2, row_body, carry[1:])
        return (accp,) + accg

    zero = jnp.zeros((16,), jnp.float32)

    fire(0, 0)
    pltpu.make_async_copy(cos_hbm, cos_v, sem_s1).wait()
    pltpu.make_async_copy(sin_hbm, sin_v, sem_d1).wait()

    carry = (zero, zero, zero, zero, zero)

    def pair_body(t, carry):
        for b in range(2):
            chunk_idx = 2 * t + b
            fire(chunk_idx + 1, 1 - b)
            wait(b)
            carry = process(chunk_idx, b, carry)
        return carry

    carry = lax.fori_loop(0, (NCHUNK - 1) // 2, pair_body, carry)
    wait(0)
    carry = process(NCHUNK - 1, 0, carry)

    accp, a0, a1, a2, a3 = carry
    st2[0, :] = accp
    st2[1, :] = (a0 + a1) + (a2 + a3)
    pltpu.sync_copy(st2, out_hbm.at[wid])


_edge_call = functools.partial(
    pl.kernel,
    out_type=jax.ShapeDtypeStruct((NW, 2, 16), jnp.float32),
    mesh=plsc.VectorSubcoreMesh(core_axis_name="c", subcore_axis_name="s"),
    compiler_params=pltpu.CompilerParams(needs_layout_passes=False,
                                         use_tc_tiling_on_sc=False),
    scratch_types=[
        pltpu.VMEM((EPW,), jnp.int32),
        pltpu.VMEM((EPW,), jnp.int32),
        pltpu.VMEM((N,), jnp.float32),
        pltpu.VMEM((N,), jnp.float32),
        pltpu.VMEM((CHUNK, DW), jnp.int32),
        pltpu.VMEM((CHUNK, DW), jnp.int32),
        pltpu.VMEM((CHUNK, DW), jnp.int32),
        pltpu.VMEM((CHUNK, DW), jnp.int32),
        pltpu.VMEM((2, 16), jnp.float32),
        pltpu.SemaphoreType.DMA,
        pltpu.SemaphoreType.DMA,
        pltpu.SemaphoreType.DMA,
        pltpu.SemaphoreType.DMA,
    ],
)(_edge_body)


def kernel(phi, amplitude, positions, edge_index, memory_y, memory_u):
    edges = edge_index.astype(jnp.int32)

    cos_t, sin_t, packed, s1, s2, s3, s4 = _dense_call(
        phi, amplitude, memory_y, memory_u, positions)

    outpg = _edge_call(edges, cos_t, sin_t, packed)

    sums = jnp.sum(outpg, axis=(0, 2))
    sum_cos = sums[0]
    sum_g = sums[1]
    l_phase = 1.0 - sum_cos / E
    l_graph = sum_g / E
    mean_e = s1[0, 0] / N
    l_energy = s2[0, 0] / N - mean_e * mean_e + LAM * (s3[0, 0] / N)
    l_mem = s4[0, 0] / (N * D)
    return (ALPHA * l_phase + BETA * l_energy
            + GAMMA * l_mem + DELTA * l_graph)

# --- scband reference (transcript-rebuilt; emitter-appended) ---
"""Pipeline reference for scband-dissonance-evaluator-27565100105785 (READ-ONLY COPY).

The authoritative reference and input builder live on the scoring server;
editing this copy changes nothing except your own understanding.
"""

import jax, jax.numpy as jnp
import numpy as np

ALPHA = 1.0
BETA = 0.3
GAMMA = 0.5
DELTA = 0.2
EMAX = 4.0
LAM = 0.5

N_NODES = 10000
N_EDGES = 320000
D = 128


def setup_inputs(seed: int = 0) -> dict:
    key = jax.random.key(seed)
    k1, k2, k3, k4, k5, k6 = jax.random.split(key, 6)
    phi = jax.random.normal(k1, (N_NODES,), dtype=jnp.float32)
    amplitude = jax.random.normal(k2, (N_NODES,), dtype=jnp.float32)
    positions = jax.random.normal(k3, (N_NODES, D), dtype=jnp.float32)
    edge_index = jax.random.randint(k4, (2, N_EDGES), 0, N_NODES, dtype=jnp.int64)
    memory_y = jax.random.normal(k5, (N_NODES, D), dtype=jnp.float32)
    memory_u = jax.random.normal(k6, (N_NODES, D), dtype=jnp.float32)
    return {
        "phi": phi,
        "amplitude": amplitude,
        "positions": positions,
        "edge_index": edge_index,
        "memory_y": memory_y,
        "memory_u": memory_u,
    }


def reference(phi, amplitude, positions, edge_index, memory_y, memory_u):
    src = edge_index[0]
    dst = edge_index[1]
    # Phase dissonance over edges
    phi_src = jnp.take(phi, src, axis=0)
    phi_dst = jnp.take(phi, dst, axis=0)
    L_phase = jnp.mean(1.0 - jnp.cos(phi_src - phi_dst))
    # Energy regularizer
    energy = 0.5 * amplitude ** 2
    L_energy = jnp.var(energy) + LAM * jnp.mean(jnp.maximum(energy - EMAX, 0.0) ** 2)
    # Memory consistency (MSE)
    L_mem = jnp.mean((memory_y - memory_u) ** 2)
    # Graph smoothness over edges
    pos_src = jnp.take(positions, src, axis=0)
    pos_dst = jnp.take(positions, dst, axis=0)
    L_graph = jnp.mean(jnp.sum((pos_src - pos_dst) ** 2, axis=-1))
    return ALPHA * L_phase + BETA * L_energy + GAMMA * L_mem + DELTA * L_graph

if __name__ == "__main__":
    import jax
    _d = setup_inputs()
    print(jax.jit(kernel)(*tuple(_d.values())))

</pallas_src>

<mosaic_0001>
#map = affine_map<(d0, d1) -> (0, 0)>
#map1 = affine_map<(d0, d1) -> (0)>
#map2 = affine_map<(d0, d1) -> (0, 0, 0)>
module attributes {stable_mosaic.version = 14 : i64} {
  func.func @_edge_body(%arg0: i32, %arg1: i32, %arg2: memref<2x320000xi32, #tpu.memory_space<hbm>>, %arg3: memref<10000xf32, #tpu.memory_space<hbm>>, %arg4: memref<10000xf32, #tpu.memory_space<hbm>>, %arg5: memref<10000x64xi32, #tpu.memory_space<hbm>>, %arg6: memref<32x2x16xf32, #tpu.memory_space<hbm>>, %arg7: memref<10000xi32, #tpu.memory_space<vmem>>, %arg8: memref<10000xi32, #tpu.memory_space<vmem>>, %arg9: memref<10000xf32, #tpu.memory_space<vmem>>, %arg10: memref<10000xf32, #tpu.memory_space<vmem>>, %arg11: memref<80x64xi32, #tpu.memory_space<vmem>>, %arg12: memref<80x64xi32, #tpu.memory_space<vmem>>, %arg13: memref<80x64xi32, #tpu.memory_space<vmem>>, %arg14: memref<80x64xi32, #tpu.memory_space<vmem>>, %arg15: memref<2x16xf32, #tpu.memory_space<vmem>>, %arg16: memref<!tpu.dma_semaphore, #tpu.memory_space<semaphore_mem>>, %arg17: memref<!tpu.dma_semaphore, #tpu.memory_space<semaphore_mem>>, %arg18: memref<!tpu.dma_semaphore, #tpu.memory_space<semaphore_mem>>, %arg19: memref<!tpu.dma_semaphore, #tpu.memory_space<semaphore_mem>>) attributes {dimension_semantics = [#tpu.dimension_semantics<core_parallel>, #tpu.dimension_semantics<subcore_parallel>], iteration_bounds = array<i64: 2, 16>, scalar_prefetch = 0 : i64, scratch_operands = 13 : i64, tpu.core_type = #tpu.core_type<sc_vector_subcore>, window_params = [{transform_indices = #map}, {transform_indices = #map1}, {transform_indices = #map1}, {transform_indices = #map}, {transform_indices = #map2}]} {
    %mul3A = arith.constant 2 : i32
    %mul3A_0 = arith.muli %arg1, %mul3A : i32
    %add3A = arith.addi %mul3A_0, %arg0 : i32
    %mul3A_1 = arith.constant 10000 : i32
    %mul3A_2 = arith.muli %add3A, %mul3A_1 : i32
    %dma_start3A = arith.constant 0 : i32
    %dma_start3A_3 = tpu.memref_slice %arg2[%dma_start3A, %mul3A_2] : memref<2x320000xi32, #tpu.memory_space<hbm>> -> memref<1x10000xi32, #tpu.memory_space<hbm>>
    %dma_start3A_4 = tpu.memref_squeeze %dma_start3A_3 : memref<1x10000xi32, #tpu.memory_space<hbm>> -> memref<10000xi32, #tpu.memory_space<hbm>>
    %dma_start3A_5 = tpu.memref_slice %arg2[%dma_start3A, %mul3A_2] : memref<2x320000xi32, #tpu.memory_space<hbm>> -> memref<1x10000xi32, #tpu.memory_space<hbm>>
    %dma_start3A_6 = tpu.memref_squeeze %dma_start3A_5 : memref<1x10000xi32, #tpu.memory_space<hbm>> -> memref<10000xi32, #tpu.memory_space<hbm>>
    tpu.enqueue_dma source(%dma_start3A_6 : memref<10000xi32, #tpu.memory_space<hbm>>) target(%arg7 : memref<10000xi32, #tpu.memory_space<vmem>>) target_semaphore(%arg16 : memref<!tpu.dma_semaphore, #tpu.memory_space<semaphore_mem>>)
    %dma_start3A_7 = arith.constant 1 : i32
    %dma_start3A_8 = tpu.memref_slice %arg2[%dma_start3A_7, %mul3A_2] : memref<2x320000xi32, #tpu.memory_space<hbm>> -> memref<1x10000xi32, #tpu.memory_space<hbm>>
    %dma_start3A_9 = tpu.memref_squeeze %dma_start3A_8 : memref<1x10000xi32, #tpu.memory_space<hbm>> -> memref<10000xi32, #tpu.memory_space<hbm>>
    %dma_start3A_10 = tpu.memref_slice %arg2[%dma_start3A_7, %mul3A_2] : memref<2x320000xi32, #tpu.memory_space<hbm>> -> memref<1x10000xi32, #tpu.memory_space<hbm>>
    %dma_start3A_11 = tpu.memref_squeeze %dma_start3A_10 : memref<1x10000xi32, #tpu.memory_space<hbm>> -> memref<10000xi32, #tpu.memory_space<hbm>>
    tpu.enqueue_dma source(%dma_start3A_11 : memref<10000xi32, #tpu.memory_space<hbm>>) target(%arg8 : memref<10000xi32, #tpu.memory_space<vmem>>) target_semaphore(%arg17 : memref<!tpu.dma_semaphore, #tpu.memory_space<semaphore_mem>>)
    tpu.enqueue_dma source(%arg3 : memref<10000xf32, #tpu.memory_space<hbm>>) target(%arg9 : memref<10000xf32, #tpu.memory_space<vmem>>) target_semaphore(%arg18 : memref<!tpu.dma_semaphore, #tpu.memory_space<semaphore_mem>>)
    tpu.enqueue_dma source(%arg4 : memref<10000xf32, #tpu.memory_space<hbm>>) target(%arg10 : memref<10000xf32, #tpu.memory_space<vmem>>) target_semaphore(%arg19 : memref<!tpu.dma_semaphore, #tpu.memory_space<semaphore_mem>>)
    %dma_wait3A = arith.constant 0 : i32
    %dma_wait3A_12 = tpu.memref_slice %arg2[%dma_wait3A, %mul3A_2] : memref<2x320000xi32, #tpu.memory_space<hbm>> -> memref<1x10000xi32, #tpu.memory_space<hbm>>
    %dma_wait3A_13 = tpu.memref_squeeze %dma_wait3A_12 : memref<1x10000xi32, #tpu.memory_space<hbm>> -> memref<10000xi32, #tpu.memory_space<hbm>>
    %dma_wait3A_14 = tpu.memref_slice %arg2[%dma_wait3A, %mul3A_2] : memref<2x320000xi32, #tpu.memory_space<hbm>> -> memref<1x10000xi32, #tpu.memory_space<hbm>>
    %dma_wait3A_15 = tpu.memref_squeeze %dma_wait3A_14 : memref<1x10000xi32, #tpu.memory_space<hbm>> -> memref<10000xi32, #tpu.memory_space<hbm>>
    tpu.wait_dma2 semaphore(%arg16 : memref<!tpu.dma_semaphore, #tpu.memory_space<semaphore_mem>>) src(%dma_wait3A_15 : memref<10000xi32, #tpu.memory_space<hbm>>) dst(%arg7 : memref<10000xi32, #tpu.memory_space<vmem>>)
    %dma_wait3A_16 = arith.constant 1 : i32
    %dma_wait3A_17 = tpu.memref_slice %arg2[%dma_wait3A_16, %mul3A_2] : memref<2x320000xi32, #tpu.memory_space<hbm>> -> memref<1x10000xi32, #tpu.memory_space<hbm>>
    %dma_wait3A_18 = tpu.memref_squeeze %dma_wait3A_17 : memref<1x10000xi32, #tpu.memory_space<hbm>> -> memref<10000xi32, #tpu.memory_space<hbm>>
    %dma_wait3A_19 = tpu.memref_slice %arg2[%dma_wait3A_16, %mul3A_2] : memref<2x320000xi32, #tpu.memory_space<hbm>> -> memref<1x10000xi32, #tpu.memory_space<hbm>>
    %dma_wait3A_20 = tpu.memref_squeeze %dma_wait3A_19 : memref<1x10000xi32, #tpu.memory_space<hbm>> -> memref<10000xi32, #tpu.memory_space<hbm>>
    tpu.wait_dma2 semaphore(%arg17 : memref<!tpu.dma_semaphore, #tpu.memory_space<semaphore_mem>>) src(%dma_wait3A_20 : memref<10000xi32, #tpu.memory_space<hbm>>) dst(%arg8 : memref<10000xi32, #tpu.memory_space<vmem>>)
    %broadcast_in_dim3A = arith.constant -65536 : i32
    %broadcast_in_dim3A_21 = vector.broadcast %broadcast_in_dim3A : i32 to vector<16xi32>
    %broadcast_in_dim3A_22 = arith.constant 0.000000e+00 : f32
    %broadcast_in_dim3A_23 = vector.broadcast %broadcast_in_dim3A_22 : f32 to vector<16xf32>
    %dma_start3A_24 = arith.constant 0 : i32
    %dma_start3A_25 = tpu.memref_slice %arg7[%dma_start3A_24] : memref<10000xi32, #tpu.memory_space<vmem>> -> memref<80xi32, #tpu.memory_space<vmem>>
    %dma_start3A_26 = arith.constant 0 : i32
    %dma_start3A_27 = arith.constant 0 : i32
    %dma_start3A_28 = tpu.memref_slice %arg5[%dma_start3A_26, %dma_start3A_27] : memref<10000x64xi32, #tpu.memory_space<hbm>> -> memref<10000x64xi32, #tpu.memory_space<hbm>>
    tpu.enqueue_indirect_dma source(%dma_start3A_28 : memref<10000x64xi32, #tpu.memory_space<hbm>>) target(%arg11 : memref<80x64xi32, #tpu.memory_space<vmem>>) offsets(%dma_start3A_25 : memref<80xi32, #tpu.memory_space<vmem>>) semaphore(%arg16 : memref<!tpu.dma_semaphore, #tpu.memory_space<semaphore_mem>>)
    %dma_start3A_29 = arith.constant 0 : i32
    %dma_start3A_30 = tpu.memref_slice %arg8[%dma_start3A_29] : memref<10000xi32, #tpu.memory_space<vmem>> -> memref<80xi32, #tpu.memory_space<vmem>>
    %dma_start3A_31 = arith.constant 0 : i32
    %dma_start3A_32 = arith.constant 0 : i32
    %dma_start3A_33 = tpu.memref_slice %arg5[%dma_start3A_31, %dma_start3A_32] : memref<10000x64xi32, #tpu.memory_space<hbm>> -> memref<10000x64xi32, #tpu.memory_space<hbm>>
    tpu.enqueue_indirect_dma source(%dma_start3A_33 : memref<10000x64xi32, #tpu.memory_space<hbm>>) target(%arg12 : memref<80x64xi32, #tpu.memory_space<vmem>>) offsets(%dma_start3A_30 : memref<80xi32, #tpu.memory_space<vmem>>) semaphore(%arg17 : memref<!tpu.dma_semaphore, #tpu.memory_space<semaphore_mem>>)
    tpu.wait_dma2 semaphore(%arg18 : memref<!tpu.dma_semaphore, #tpu.memory_space<semaphore_mem>>) src(%arg3 : memref<10000xf32, #tpu.memory_space<hbm>>) dst(%arg9 : memref<10000xf32, #tpu.memory_space<vmem>>)
    tpu.wait_dma2 semaphore(%arg19 : memref<!tpu.dma_semaphore, #tpu.memory_space<semaphore_mem>>) src(%arg4 : memref<10000xf32, #tpu.memory_space<hbm>>) dst(%arg10 : memref<10000xf32, #tpu.memory_space<vmem>>)
    %scan3A = arith.constant 0 : i32
    %scan3A_34 = arith.constant 62 : i32
    %scan3A_35 = arith.addi %scan3A, %scan3A_34 : i32
    %scan3A_36 = arith.constant 1 : i32
    %scan3A_37:5 = scf.for %scan3A_73 = %scan3A to %scan3A_35 step %scan3A_36 iter_args(%scan3A_74 = %broadcast_in_dim3A_23, %scan3A_75 = %broadcast_in_dim3A_23, %scan3A_76 = %broadcast_in_dim3A_23, %scan3A_77 = %broadcast_in_dim3A_23, %scan3A_78 = %broadcast_in_dim3A_23) -> (vector<16xf32>, vector<16xf32>, vector<16xf32>, vector<16xf32>, vector<16xf32>)  : i32 {
      %mul3A_79 = arith.constant 2 : i32
      %mul3A_80 = arith.muli %mul3A_79, %scan3A_73 : i32
      %add3A_81 = arith.constant 0 : i32
      %add3A_82 = arith.addi %mul3A_80, %add3A_81 : i32
      %add3A_83 = arith.constant 1 : i32
      %add3A_84 = arith.addi %add3A_82, %add3A_83 : i32
      %mul3A_85 = arith.constant 80 : i32
      %mul3A_86 = arith.muli %add3A_84, %mul3A_85 : i32
      %dma_start3A_87 = tpu.memref_slice %arg7[%mul3A_86] : memref<10000xi32, #tpu.memory_space<vmem>> -> memref<80xi32, #tpu.memory_space<vmem>>
      %dma_start3A_88 = arith.constant 0 : i32
      %dma_start3A_89 = arith.constant 0 : i32
      %dma_start3A_90 = tpu.memref_slice %arg5[%dma_start3A_88, %dma_start3A_89] : memref<10000x64xi32, #tpu.memory_space<hbm>> -> memref<10000x64xi32, #tpu.memory_space<hbm>>
      tpu.enqueue_indirect_dma source(%dma_start3A_90 : memref<10000x64xi32, #tpu.memory_space<hbm>>) target(%arg13 : memref<80x64xi32, #tpu.memory_space<vmem>>) offsets(%dma_start3A_87 : memref<80xi32, #tpu.memory_space<vmem>>) semaphore(%arg18 : memref<!tpu.dma_semaphore, #tpu.memory_space<semaphore_mem>>)
      %dma_start3A_91 = tpu.memref_slice %arg8[%mul3A_86] : memref<10000xi32, #tpu.memory_space<vmem>> -> memref<80xi32, #tpu.memory_space<vmem>>
      %dma_start3A_92 = arith.constant 0 : i32
      %dma_start3A_93 = arith.constant 0 : i32
      %dma_start3A_94 = tpu.memref_slice %arg5[%dma_start3A_92, %dma_start3A_93] : memref<10000x64xi32, #tpu.memory_space<hbm>> -> memref<10000x64xi32, #tpu.memory_space<hbm>>
      tpu.enqueue_indirect_dma source(%dma_start3A_94 : memref<10000x64xi32, #tpu.memory_space<hbm>>) target(%arg14 : memref<80x64xi32, #tpu.memory_space<vmem>>) offsets(%dma_start3A_91 : memref<80xi32, #tpu.memory_space<vmem>>) semaphore(%arg19 : memref<!tpu.dma_semaphore, #tpu.memory_space<semaphore_mem>>)
      %dma_wait3A_95 = arith.constant 0 : i32
      %dma_wait3A_96 = arith.constant 0 : i32
      %dma_wait3A_97 = tpu.memref_slice %arg5[%dma_wait3A_95, %dma_wait3A_96] : memref<10000x64xi32, #tpu.memory_space<hbm>> -> memref<80x64xi32, #tpu.memory_space<hbm>>
      %dma_wait3A_98 = arith.constant 0 : i32
      %dma_wait3A_99 = arith.constant 0 : i32
      %dma_wait3A_100 = tpu.memref_slice %arg5[%dma_wait3A_98, %dma_wait3A_99] : memref<10000x64xi32, #tpu.memory_space<hbm>> -> memref<80x64xi32, #tpu.memory_space<hbm>>
      tpu.wait_dma2 semaphore(%arg16 : memref<!tpu.dma_semaphore, #tpu.memory_space<semaphore_mem>>) src(%dma_wait3A_100 : memref<80x64xi32, #tpu.memory_space<hbm>>) dst(%arg11 : memref<80x64xi32, #tpu.memory_space<vmem>>)
      %dma_wait3A_101 = arith.constant 0 : i32
      %dma_wait3A_102 = arith.constant 0 : i32
      %dma_wait3A_103 = tpu.memref_slice %arg5[%dma_wait3A_101, %dma_wait3A_102] : memref<10000x64xi32, #tpu.memory_space<hbm>> -> memref<80x64xi32, #tpu.memory_space<hbm>>
      %dma_wait3A_104 = arith.constant 0 : i32
      %dma_wait3A_105 = arith.constant 0 : i32
      %dma_wait3A_106 = tpu.memref_slice %arg5[%dma_wait3A_104, %dma_wait3A_105] : memref<10000x64xi32, #tpu.memory_space<hbm>> -> memref<80x64xi32, #tpu.memory_space<hbm>>
      tpu.wait_dma2 semaphore(%arg17 : memref<!tpu.dma_semaphore, #tpu.memory_space<semaphore_mem>>) src(%dma_wait3A_106 : memref<80x64xi32, #tpu.memory_space<hbm>>) dst(%arg12 : memref<80x64xi32, #tpu.memory_space<vmem>>)
      %mul3A_107 = arith.constant 80 : i32
      %mul3A_108 = arith.muli %add3A_82, %mul3A_107 : i32
      %scan3A_109 = arith.constant 0 : i32
      %scan3A_110 = arith.constant 5 : i32
      %scan3A_111 = arith.addi %scan3A_109, %scan3A_110 : i32
      %scan3A_112 = arith.constant 1 : i32
      %scan3A_113 = scf.for %scan3A_163 = %scan3A_109 to %scan3A_111 step %scan3A_112 iter_args(%scan3A_164 = %scan3A_74) -> (vector<16xf32>)  : i32 {
        %mul3A_165 = arith.constant 16 : i32
        %mul3A_166 = arith.muli %scan3A_163, %mul3A_165 : i32
        %add3A_167 = arith.addi %mul3A_108, %mul3A_166 : i32
        %get3A = arith.index_cast %add3A_167 : i32 to index
        %get3A_168 = tpu.vector_load %arg7[%get3A] {strides = array<i32>} : memref<10000xi32, #tpu.memory_space<vmem>>, vector<16xi32>,
        %get3A_169 = arith.index_cast %add3A_167 : i32 to index
        %get3A_170 = tpu.vector_load %arg8[%get3A_169] {strides = array<i32>} : memref<10000xi32, #tpu.memory_space<vmem>>, vector<16xi32>,
        %gather3A = tpu.vector_load_idx %arg9[%get3A_168] : memref<10000xf32, #tpu.memory_space<vmem>>[vector<16xi32>], vector<16xf32>,
        %gather3A_171 = tpu.vector_load_idx %arg9[%get3A_170] : memref<10000xf32, #tpu.memory_space<vmem>>[vector<16xi32>], vector<16xf32>,
        %gather3A_172 = tpu.vector_load_idx %arg10[%get3A_168] : memref<10000xf32, #tpu.memory_space<vmem>>[vector<16xi32>], vector<16xf32>,
        %gather3A_173 = tpu.vector_load_idx %arg10[%get3A_170] : memref<10000xf32, #tpu.memory_space<vmem>>[vector<16xi32>], vector<16xf32>,
        %mul3A_174 = arith.mulf %gather3A, %gather3A_171 : vector<16xf32>
        %mul3A_175 = arith.mulf %gather3A_172, %gather3A_173 : vector<16xf32>
        %add3A_176 = arith.addf %mul3A_174, %mul3A_175 : vector<16xf32>
        %add3A_177 = arith.addf %scan3A_164, %add3A_176 : vector<16xf32>
        scf.yield %add3A_177 : vector<16xf32>
      }
      %scan3A_114 = arith.constant 5 : i32
      %scan3A_115 = arith.constant 0 : i32
      %scan3A_116 = arith.constant 40 : i32
      %scan3A_117 = arith.addi %scan3A_115, %scan3A_116 : i32
      %scan3A_118 = arith.constant 1 : i32
      %scan3A_119:4 = scf.for %scan3A_163 = %scan3A_115 to %scan3A_117 step %scan3A_118 iter_args(%scan3A_164 = %scan3A_75, %scan3A_165 = %scan3A_76, %scan3A_166 = %scan3A_77, %scan3A_167 = %scan3A_78) -> (vector<16xf32>, vector<16xf32>, vector<16xf32>, vector<16xf32>)  : i32 {
        %mul3A_168 = arith.constant 2 : i32
        %mul3A_169 = arith.muli %mul3A_168, %scan3A_163 : i32
        %add3A_170 = arith.constant 0 : i32
        %add3A_171 = arith.addi %mul3A_169, %add3A_170 : i32
        %get3A = arith.index_cast %add3A_171 : i32 to index
        %get3A_172 = arith.constant 0 : index
        %get3A_173 = tpu.vector_load %arg11[%get3A, %get3A_172] {strides = array<i32>} : memref<80x64xi32, #tpu.memory_space<vmem>>, vector<16xi32>,
        %bitcast3A = vector.bitcast %get3A_173 : vector<16xi32> to vector<32xbf16>
        %get3A_174 = arith.index_cast %add3A_171 : i32 to index
        %get3A_175 = arith.constant 0 : index
        %get3A_176 = tpu.vector_load %arg12[%get3A_174, %get3A_175] {strides = array<i32>} : memref<80x64xi32, #tpu.memory_space<vmem>>, vector<16xi32>,
        %bitcast3A_177 = vector.bitcast %get3A_176 : vector<16xi32> to vector<32xbf16>
        %sub3A = arith.subf %bitcast3A, %bitcast3A_177 : vector<32xbf16>
        %mul3A_178 = arith.mulf %sub3A, %sub3A : vector<32xbf16>
        %bitcast3A_179 = vector.bitcast %mul3A_178 : vector<32xbf16> to vector<16xi32>
        %and3A = arith.andi %bitcast3A_179, %broadcast_in_dim3A_21 : vector<16xi32>
        %bitcast3A_180 = vector.bitcast %and3A : vector<16xi32> to vector<16xf32>
        %shift_left3A = arith.constant 16 : i32
        %shift_left3A_181 = vector.broadcast %shift_left3A : i32 to vector<16xi32>
        %shift_left3A_182 = arith.shli %bitcast3A_179, %shift_left3A_181 : vector<16xi32>
        %bitcast3A_183 = vector.bitcast %shift_left3A_182 : vector<16xi32> to vector<16xf32>
        %add3A_184 = arith.addf %scan3A_164, %bitcast3A_180 : vector<16xf32>
        %add3A_185 = arith.addf %scan3A_166, %bitcast3A_183 : vector<16xf32>
        %get3A_186 = arith.index_cast %add3A_171 : i32 to index
        %get3A_187 = arith.constant 16 : index
        %get3A_188 = tpu.vector_load %arg11[%get3A_186, %get3A_187] {strides = array<i32>} : memref<80x64xi32, #tpu.memory_space<vmem>>, vector<16xi32>,
        %bitcast3A_189 = vector.bitcast %get3A_188 : vector<16xi32> to vector<32xbf16>
        %get3A_190 = arith.index_cast %add3A_171 : i32 to index
        %get3A_191 = arith.constant 16 : index
        %get3A_192 = tpu.vector_load %arg12[%get3A_190, %get3A_191] {strides = array<i32>} : memref<80x64xi32, #tpu.memory_space<vmem>>, vector<16xi32>,
        %bitcast3A_193 = vector.bitcast %get3A_192 : vector<16xi32> to vector<32xbf16>
        %sub3A_194 = arith.subf %bitcast3A_189, %bitcast3A_193 : vector<32xbf16>
        %mul3A_195 = arith.mulf %sub3A_194, %sub3A_194 : vector<32xbf16>
        %bitcast3A_196 = vector.bitcast %mul3A_195 : vector<32xbf16> to vector<16xi32>
        %and3A_197 = arith.andi %bitcast3A_196, %broadcast_in_dim3A_21 : vector<16xi32>
        %bitcast3A_198 = vector.bitcast %and3A_197 : vector<16xi32> to vector<16xf32>
        %shift_left3A_199 = arith.constant 16 : i32
        %shift_left3A_200 = vector.broadcast %shift_left3A_199 : i32 to vector<16xi32>
        %shift_left3A_201 = arith.shli %bitcast3A_196, %shift_left3A_200 : vector<16xi32>
        %bitcast3A_202 = vector.bitcast %shift_left3A_201 : vector<16xi32> to vector<16xf32>
        %add3A_203 = arith.addf %scan3A_165, %bitcast3A_198 : vector<16xf32>
        %add3A_204 = arith.addf %scan3A_167, %bitcast3A_202 : vector<16xf32>
        %get3A_205 = arith.index_cast %add3A_171 : i32 to index
        %get3A_206 = arith.constant 32 : index
        %get3A_207 = tpu.vector_load %arg11[%get3A_205, %get3A_206] {strides = array<i32>} : memref<80x64xi32, #tpu.memory_space<vmem>>, vector<16xi32>,
        %bitcast3A_208 = vector.bitcast %get3A_207 : vector<16xi32> to vector<32xbf16>
        %get3A_209 = arith.index_cast %add3A_171 : i32 to index
        %get3A_210 = arith.constant 32 : index
        %get3A_211 = tpu.vector_load %arg12[%get3A_209, %get3A_210] {strides = array<i32>} : memref<80x64xi32, #tpu.memory_space<vmem>>, vector<16xi32>,
        %bitcast3A_212 = vector.bitcast %get3A_211 : vector<16xi32> to vector<32xbf16>
        %sub3A_213 = arith.subf %bitcast3A_208, %bitcast3A_212 : vector<32xbf16>
        %mul3A_214 = arith.mulf %sub3A_213, %sub3A_213 : vector<32xbf16>
        %bitcast3A_215 = vector.bitcast %mul3A_214 : vector<32xbf16> to vector<16xi32>
        %and3A_216 = arith.andi %bitcast3A_215, %broadcast_in_dim3A_21 : vector<16xi32>
        %bitcast3A_217 = vector.bitcast %and3A_216 : vector<16xi32> to vector<16xf32>
        %shift_left3A_218 = arith.constant 16 : i32
        %shift_left3A_219 = vector.broadcast %shift_left3A_218 : i32 to vector<16xi32>
        %shift_left3A_220 = arith.shli %bitcast3A_215, %shift_left3A_219 : vector<16xi32>
        %bitcast3A_221 = vector.bitcast %shift_left3A_220 : vector<16xi32> to vector<16xf32>
        %add3A_222 = arith.addf %add3A_184, %bitcast3A_217 : vector<16xf32>
        %add3A_223 = arith.addf %add3A_185, %bitcast3A_221 : vector<16xf32>
        %get3A_224 = arith.index_cast %add3A_171 : i32 to index
        %get3A_225 = arith.constant 48 : index
        %get3A_226 = tpu.vector_load %arg11[%get3A_224, %get3A_225] {strides = array<i32>} : memref<80x64xi32, #tpu.memory_space<vmem>>, vector<16xi32>,
        %bitcast3A_227 = vector.bitcast %get3A_226 : vector<16xi32> to vector<32xbf16>
        %get3A_228 = arith.index_cast %add3A_171 : i32 to index
        %get3A_229 = arith.constant 48 : index
        %get3A_230 = tpu.vector_load %arg12[%get3A_228, %get3A_229] {strides = array<i32>} : memref<80x64xi32, #tpu.memory_space<vmem>>, vector<16xi32>,
        %bitcast3A_231 = vector.bitcast %get3A_230 : vector<16xi32> to vector<32xbf16>
        %sub3A_232 = arith.subf %bitcast3A_227, %bitcast3A_231 : vector<32xbf16>
        %mul3A_233 = arith.mulf %sub3A_232, %sub3A_232 : vector<32xbf16>
        %bitcast3A_234 = vector.bitcast %mul3A_233 : vector<32xbf16> to vector<16xi32>
        %and3A_235 = arith.andi %bitcast3A_234, %broadcast_in_dim3A_21 : vector<16xi32>
        %bitcast3A_236 = vector.bitcast %and3A_235 : vector<16xi32> to vector<16xf32>
        %shift_left3A_237 = arith.constant 16 : i32
        %shift_left3A_238 = vector.broadcast %shift_left3A_237 : i32 to vector<16xi32>
        %shift_left3A_239 = arith.shli %bitcast3A_234, %shift_left3A_238 : vector<16xi32>
        %bitcast3A_240 = vector.bitcast %shift_left3A_239 : vector<16xi32> to vector<16xf32>
        %add3A_241 = arith.addf %add3A_203, %bitcast3A_236 : vector<16xf32>
        %add3A_242 = arith.addf %add3A_204, %bitcast3A_240 : vector<16xf32>
        %mul3A_243 = arith.constant 2 : i32
        %mul3A_244 = arith.muli %mul3A_243, %scan3A_163 : i32
        %add3A_245 = arith.constant 1 : i32
        %add3A_246 = arith.addi %mul3A_244, %add3A_245 : i32
        %get3A_247 = arith.index_cast %add3A_246 : i32 to index
        %get3A_248 = arith.constant 0 : index
        %get3A_249 = tpu.vector_load %arg11[%get3A_247, %get3A_248] {strides = array<i32>} : memref<80x64xi32, #tpu.memory_space<vmem>>, vector<16xi32>,
        %bitcast3A_250 = vector.bitcast %get3A_249 : vector<16xi32> to vector<32xbf16>
        %get3A_251 = arith.index_cast %add3A_246 : i32 to index
        %get3A_252 = arith.constant 0 : index
        %get3A_253 = tpu.vector_load %arg12[%get3A_251, %get3A_252] {strides = array<i32>} : memref<80x64xi32, #tpu.memory_space<vmem>>, vector<16xi32>,
        %bitcast3A_254 = vector.bitcast %get3A_253 : vector<16xi32> to vector<32xbf16>
        %sub3A_255 = arith.subf %bitcast3A_250, %bitcast3A_254 : vector<32xbf16>
        %mul3A_256 = arith.mulf %sub3A_255, %sub3A_255 : vector<32xbf16>
        %bitcast3A_257 = vector.bitcast %mul3A_256 : vector<32xbf16> to vector<16xi32>
        %and3A_258 = arith.andi %bitcast3A_257, %broadcast_in_dim3A_21 : vector<16xi32>
        %bitcast3A_259 = vector.bitcast %and3A_258 : vector<16xi32> to vector<16xf32>
        %shift_left3A_260 = arith.constant 16 : i32
        %shift_left3A_261 = vector.broadcast %shift_left3A_260 : i32 to vector<16xi32>
        %shift_left3A_262 = arith.shli %bitcast3A_257, %shift_left3A_261 : vector<16xi32>
        %bitcast3A_263 = vector.bitcast %shift_left3A_262 : vector<16xi32> to vector<16xf32>
        %add3A_264 = arith.addf %add3A_222, %bitcast3A_259 : vector<16xf32>
        %add3A_265 = arith.addf %add3A_223, %bitcast3A_263 : vector<16xf32>
        %get3A_266 = arith.index_cast %add3A_246 : i32 to index
        %get3A_267 = arith.constant 16 : index
        %get3A_268 = tpu.vector_load %arg11[%get3A_266, %get3A_267] {strides = array<i32>} : memref<80x64xi32, #tpu.memory_space<vmem>>, vector<16xi32>,
        %bitcast3A_269 = vector.bitcast %get3A_268 : vector<16xi32> to vector<32xbf16>
        %get3A_270 = arith.index_cast %add3A_246 : i32 to index
        %get3A_271 = arith.constant 16 : index
        %get3A_272 = tpu.vector_load %arg12[%get3A_270, %get3A_271] {strides = array<i32>} : memref<80x64xi32, #tpu.memory_space<vmem>>, vector<16xi32>,
        %bitcast3A_273 = vector.bitcast %get3A_272 : vector<16xi32> to vector<32xbf16>
        %sub3A_274 = arith.subf %bitcast3A_269, %bitcast3A_273 : vector<32xbf16>
        %mul3A_275 = arith.mulf %sub3A_274, %sub3A_274 : vector<32xbf16>
        %bitcast3A_276 = vector.bitcast %mul3A_275 : vector<32xbf16> to vector<16xi32>
        %and3A_277 = arith.andi %bitcast3A_276, %broadcast_in_dim3A_21 : vector<16xi32>
        %bitcast3A_278 = vector.bitcast %and3A_277 : vector<16xi32> to vector<16xf32>
        %shift_left3A_279 = arith.constant 16 : i32
        %shift_left3A_280 = vector.broadcast %shift_left3A_279 : i32 to vector<16xi32>
        %shift_left3A_281 = arith.shli %bitcast3A_276, %shift_left3A_280 : vector<16xi32>
        %bitcast3A_282 = vector.bitcast %shift_left3A_281 : vector<16xi32> to vector<16xf32>
        %add3A_283 = arith.addf %add3A_241, %bitcast3A_278 : vector<16xf32>
        %add3A_284 = arith.addf %add3A_242, %bitcast3A_282 : vector<16xf32>
        %get3A_285 = arith.index_cast %add3A_246 : i32 to index
        %get3A_286 = arith.constant 32 : index
        %get3A_287 = tpu.vector_load %arg11[%get3A_285, %get3A_286] {strides = array<i32>} : memref<80x64xi32, #tpu.memory_space<vmem>>, vector<16xi32>,
        %bitcast3A_288 = vector.bitcast %get3A_287 : vector<16xi32> to vector<32xbf16>
        %get3A_289 = arith.index_cast %add3A_246 : i32 to index
        %get3A_290 = arith.constant 32 : index
        %get3A_291 = tpu.vector_load %arg12[%get3A_289, %get3A_290] {strides = array<i32>} : memref<80x64xi32, #tpu.memory_space<vmem>>, vector<16xi32>,
        %bitcast3A_292 = vector.bitcast %get3A_291 : vector<16xi32> to vector<32xbf16>
        %sub3A_293 = arith.subf %bitcast3A_288, %bitcast3A_292 : vector<32xbf16>
        %mul3A_294 = arith.mulf %sub3A_293, %sub3A_293 : vector<32xbf16>
        %bitcast3A_295 = vector.bitcast %mul3A_294 : vector<32xbf16> to vector<16xi32>
        %and3A_296 = arith.andi %bitcast3A_295, %broadcast_in_dim3A_21 : vector<16xi32>
        %bitcast3A_297 = vector.bitcast %and3A_296 : vector<16xi32> to vector<16xf32>
        %shift_left3A_298 = arith.constant 16 : i32
        %shift_left3A_299 = vector.broadcast %shift_left3A_298 : i32 to vector<16xi32>
        %shift_left3A_300 = arith.shli %bitcast3A_295, %shift_left3A_299 : vector<16xi32>
        %bitcast3A_301 = vector.bitcast %shift_left3A_300 : vector<16xi32> to vector<16xf32>
        %add3A_302 = arith.addf %add3A_264, %bitcast3A_297 : vector<16xf32>
        %add3A_303 = arith.addf %add3A_265, %bitcast3A_301 : vector<16xf32>
        %get3A_304 = arith.index_cast %add3A_246 : i32 to index
        %get3A_305 = arith.constant 48 : index
        %get3A_306 = tpu.vector_load %arg11[%get3A_304, %get3A_305] {strides = array<i32>} : memref<80x64xi32, #tpu.memory_space<vmem>>, vector<16xi32>,
        %bitcast3A_307 = vector.bitcast %get3A_306 : vector<16xi32> to vector<32xbf16>
        %get3A_308 = arith.index_cast %add3A_246 : i32 to index
        %get3A_309 = arith.constant 48 : index
        %get3A_310 = tpu.vector_load %arg12[%get3A_308, %get3A_309] {strides = array<i32>} : memref<80x64xi32, #tpu.memory_space<vmem>>, vector<16xi32>,
        %bitcast3A_311 = vector.bitcast %get3A_310 : vector<16xi32> to vector<32xbf16>
        %sub3A_312 = arith.subf %bitcast3A_307, %bitcast3A_311 : vector<32xbf16>
        %mul3A_313 = arith.mulf %sub3A_312, %sub3A_312 : vector<32xbf16>
        %bitcast3A_314 = vector.bitcast %mul3A_313 : vector<32xbf16> to vector<16xi32>
        %and3A_315 = arith.andi %bitcast3A_314, %broadcast_in_dim3A_21 : vector<16xi32>
        %bitcast3A_316 = vector.bitcast %and3A_315 : vector<16xi32> to vector<16xf32>
        %shift_left3A_317 = arith.constant 16 : i32
        %shift_left3A_318 = vector.broadcast %shift_left3A_317 : i32 to vector<16xi32>
        %shift_left3A_319 = arith.shli %bitcast3A_314, %shift_left3A_318 : vector<16xi32>
        %bitcast3A_320 = vector.bitcast %shift_left3A_319 : vector<16xi32> to vector<16xf32>
        %add3A_321 = arith.addf %add3A_283, %bitcast3A_316 : vector<16xf32>
        %add3A_322 = arith.addf %add3A_284, %bitcast3A_320 : vector<16xf32>
        scf.yield %add3A_302, %add3A_321, %add3A_303, %add3A_322 : vector<16xf32>, vector<16xf32>, vector<16xf32>, vector<16xf32>
      }
      %scan3A_120 = arith.constant 40 : i32
      %mul3A_121 = arith.constant 2 : i32
      %mul3A_122 = arith.muli %mul3A_121, %scan3A_73 : i32
      %add3A_123 = arith.constant 1 : i32
      %add3A_124 = arith.addi %mul3A_122, %add3A_123 : i32
      %add3A_125 = arith.constant 1 : i32
      %add3A_126 = arith.addi %add3A_124, %add3A_125 : i32
      %mul3A_127 = arith.constant 80 : i32
      %mul3A_128 = arith.muli %add3A_126, %mul3A_127 : i32
      %dma_start3A_129 = tpu.memref_slice %arg7[%mul3A_128] : memref<10000xi32, #tpu.memory_space<vmem>> -> memref<80xi32, #tpu.memory_space<vmem>>
      %dma_start3A_130 = arith.constant 0 : i32
      %dma_start3A_131 = arith.constant 0 : i32
      %dma_start3A_132 = tpu.memref_slice %arg5[%dma_start3A_130, %dma_start3A_131] : memref<10000x64xi32, #tpu.memory_space<hbm>> -> memref<10000x64xi32, #tpu.memory_space<hbm>>
      tpu.enqueue_indirect_dma source(%dma_start3A_132 : memref<10000x64xi32, #tpu.memory_space<hbm>>) target(%arg11 : memref<80x64xi32, #tpu.memory_space<vmem>>) offsets(%dma_start3A_129 : memref<80xi32, #tpu.memory_space<vmem>>) semaphore(%arg16 : memref<!tpu.dma_semaphore, #tpu.memory_space<semaphore_mem>>)
      %dma_start3A_133 = tpu.memref_slice %arg8[%mul3A_128] : memref<10000xi32, #tpu.memory_space<vmem>> -> memref<80xi32, #tpu.memory_space<vmem>>
      %dma_start3A_134 = arith.constant 0 : i32
      %dma_start3A_135 = arith.constant 0 : i32
      %dma_start3A_136 = tpu.memref_slice %arg5[%dma_start3A_134, %dma_start3A_135] : memref<10000x64xi32, #tpu.memory_space<hbm>> -> memref<10000x64xi32, #tpu.memory_space<hbm>>
      tpu.enqueue_indirect_dma source(%dma_start3A_136 : memref<10000x64xi32, #tpu.memory_space<hbm>>) target(%arg12 : memref<80x64xi32, #tpu.memory_space<vmem>>) offsets(%dma_start3A_133 : memref<80xi32, #tpu.memory_space<vmem>>) semaphore(%arg17 : memref<!tpu.dma_semaphore, #tpu.memory_space<semaphore_mem>>)
      %dma_wait3A_137 = arith.constant 0 : i32
      %dma_wait3A_138 = arith.constant 0 : i32
      %dma_wait3A_139 = tpu.memref_slice %arg5[%dma_wait3A_137, %dma_wait3A_138] : memref<10000x64xi32, #tpu.memory_space<hbm>> -> memref<80x64xi32, #tpu.memory_space<hbm>>
      %dma_wait3A_140 = arith.constant 0 : i32
      %dma_wait3A_141 = arith.constant 0 : i32
      %dma_wait3A_142 = tpu.memref_slice %arg5[%dma_wait3A_140, %dma_wait3A_141] : memref<10000x64xi32, #tpu.memory_space<hbm>> -> memref<80x64xi32, #tpu.memory_space<hbm>>
      tpu.wait_dma2 semaphore(%arg18 : memref<!tpu.dma_semaphore, #tpu.memory_space<semaphore_mem>>) src(%dma_wait3A_142 : memref<80x64xi32, #tpu.memory_space<hbm>>) dst(%arg13 : memref<80x64xi32, #tpu.memory_space<vmem>>)
      %dma_wait3A_143 = arith.constant 0 : i32
      %dma_wait3A_144 = arith.constant 0 : i32
      %dma_wait3A_145 = tpu.memref_slice %arg5[%dma_wait3A_143, %dma_wait3A_144] : memref<10000x64xi32, #tpu.memory_space<hbm>> -> memref<80x64xi32, #tpu.memory_space<hbm>>
      %dma_wait3A_146 = arith.constant 0 : i32
      %dma_wait3A_147 = arith.constant 0 : i32
      %dma_wait3A_148 = tpu.memref_slice %arg5[%dma_wait3A_146, %dma_wait3A_147] : memref<10000x64xi32, #tpu.memory_space<hbm>> -> memref<80x64xi32, #tpu.memory_space<hbm>>
      tpu.wait_dma2 semaphore(%arg19 : memref<!tpu.dma_semaphore, #tpu.memory_space<semaphore_mem>>) src(%dma_wait3A_148 : memref<80x64xi32, #tpu.memory_space<hbm>>) dst(%arg14 : memref<80x64xi32, #tpu.memory_space<vmem>>)
      %mul3A_149 = arith.constant 80 : i32
      %mul3A_150 = arith.muli %add3A_124, %mul3A_149 : i32
      %scan3A_151 = arith.constant 0 : i32
      %scan3A_152 = arith.constant 5 : i32
      %scan3A_153 = arith.addi %scan3A_151, %scan3A_152 : i32
      %scan3A_154 = arith.constant 1 : i32
      %scan3A_155 = scf.for %scan3A_163 = %scan3A_151 to %scan3A_153 step %scan3A_154 iter_args(%scan3A_164 = %scan3A_113) -> (vector<16xf32>)  : i32 {
        %mul3A_165 = arith.constant 16 : i32
        %mul3A_166 = arith.muli %scan3A_163, %mul3A_165 : i32
        %add3A_167 = arith.addi %mul3A_150, %mul3A_166 : i32
        %get3A = arith.index_cast %add3A_167 : i32 to index
        %get3A_168 = tpu.vector_load %arg7[%get3A] {strides = array<i32>} : memref<10000xi32, #tpu.memory_space<vmem>>, vector<16xi32>,
        %get3A_169 = arith.index_cast %add3A_167 : i32 to index
        %get3A_170 = tpu.vector_load %arg8[%get3A_169] {strides = array<i32>} : memref<10000xi32, #tpu.memory_space<vmem>>, vector<16xi32>,
        %gather3A = tpu.vector_load_idx %arg9[%get3A_168] : memref<10000xf32, #tpu.memory_space<vmem>>[vector<16xi32>], vector<16xf32>,
        %gather3A_171 = tpu.vector_load_idx %arg9[%get3A_170] : memref<10000xf32, #tpu.memory_space<vmem>>[vector<16xi32>], vector<16xf32>,
        %gather3A_172 = tpu.vector_load_idx %arg10[%get3A_168] : memref<10000xf32, #tpu.memory_space<vmem>>[vector<16xi32>], vector<16xf32>,
        %gather3A_173 = tpu.vector_load_idx %arg10[%get3A_170] : memref<10000xf32, #tpu.memory_space<vmem>>[vector<16xi32>], vector<16xf32>,
        %mul3A_174 = arith.mulf %gather3A, %gather3A_171 : vector<16xf32>
        %mul3A_175 = arith.mulf %gather3A_172, %gather3A_173 : vector<16xf32>
        %add3A_176 = arith.addf %mul3A_174, %mul3A_175 : vector<16xf32>
        %add3A_177 = arith.addf %scan3A_164, %add3A_176 : vector<16xf32>
        scf.yield %add3A_177 : vector<16xf32>
      }
      %scan3A_156 = arith.constant 5 : i32
      %scan3A_157 = arith.constant 0 : i32
      %scan3A_158 = arith.constant 40 : i32
      %scan3A_159 = arith.addi %scan3A_157, %scan3A_158 : i32
      %scan3A_160 = arith.constant 1 : i32
      %scan3A_161:4 = scf.for %scan3A_163 = %scan3A_157 to %scan3A_159 step %scan3A_160 iter_args(%scan3A_164 = %scan3A_119#0, %scan3A_165 = %scan3A_119#1, %scan3A_166 = %scan3A_119#2, %scan3A_167 = %scan3A_119#3) -> (vector<16xf32>, vector<16xf32>, vector<16xf32>, vector<16xf32>)  : i32 {
        %mul3A_168 = arith.constant 2 : i32
        %mul3A_169 = arith.muli %mul3A_168, %scan3A_163 : i32
        %add3A_170 = arith.constant 0 : i32
        %add3A_171 = arith.addi %mul3A_169, %add3A_170 : i32
        %get3A = arith.index_cast %add3A_171 : i32 to index
        %get3A_172 = arith.constant 0 : index
        %get3A_173 = tpu.vector_load %arg13[%get3A, %get3A_172] {strides = array<i32>} : memref<80x64xi32, #tpu.memory_space<vmem>>, vector<16xi32>,
        %bitcast3A = vector.bitcast %get3A_173 : vector<16xi32> to vector<32xbf16>
        %get3A_174 = arith.index_cast %add3A_171 : i32 to index
        %get3A_175 = arith.constant 0 : index
        %get3A_176 = tpu.vector_load %arg14[%get3A_174, %get3A_175] {strides = array<i32>} : memref<80x64xi32, #tpu.memory_space<vmem>>, vector<16xi32>,
        %bitcast3A_177 = vector.bitcast %get3A_176 : vector<16xi32> to vector<32xbf16>
        %sub3A = arith.subf %bitcast3A, %bitcast3A_177 : vector<32xbf16>
        %mul3A_178 = arith.mulf %sub3A, %sub3A : vector<32xbf16>
        %bitcast3A_179 = vector.bitcast %mul3A_178 : vector<32xbf16> to vector<16xi32>
        %and3A = arith.andi %bitcast3A_179, %broadcast_in_dim3A_21 : vector<16xi32>
        %bitcast3A_180 = vector.bitcast %and3A : vector<16xi32> to vector<16xf32>
        %shift_left3A = arith.constant 16 : i32
        %shift_left3A_181 = vector.broadcast %shift_left3A : i32 to vector<16xi32>
        %shift_left3A_182 = arith.shli %bitcast3A_179, %shift_left3A_181 : vector<16xi32>
        %bitcast3A_183 = vector.bitcast %shift_left3A_182 : vector<16xi32> to vector<16xf32>
        %add3A_184 = arith.addf %scan3A_164, %bitcast3A_180 : vector<16xf32>
        %add3A_185 = arith.addf %scan3A_166, %bitcast3A_183 : vector<16xf32>
        %get3A_186 = arith.index_cast %add3A_171 : i32 to index
        %get3A_187 = arith.constant 16 : index
        %get3A_188 = tpu.vector_load %arg13[%get3A_186, %get3A_187] {strides = array<i32>} : memref<80x64xi32, #tpu.memory_space<vmem>>, vector<16xi32>,
        %bitcast3A_189 = vector.bitcast %get3A_188 : vector<16xi32> to vector<32xbf16>
        %get3A_190 = arith.index_cast %add3A_171 : i32 to index
        %get3A_191 = arith.constant 16 : index
        %get3A_192 = tpu.vector_load %arg14[%get3A_190, %get3A_191] {strides = array<i32>} : memref<80x64xi32, #tpu.memory_space<vmem>>, vector<16xi32>,
        %bitcast3A_193 = vector.bitcast %get3A_192 : vector<16xi32> to vector<32xbf16>
        %sub3A_194 = arith.subf %bitcast3A_189, %bitcast3A_193 : vector<32xbf16>
        %mul3A_195 = arith.mulf %sub3A_194, %sub3A_194 : vector<32xbf16>
        %bitcast3A_196 = vector.bitcast %mul3A_195 : vector<32xbf16> to vector<16xi32>
        %and3A_197 = arith.andi %bitcast3A_196, %broadcast_in_dim3A_21 : vector<16xi32>
        %bitcast3A_198 = vector.bitcast %and3A_197 : vector<16xi32> to vector<16xf32>
        %shift_left3A_199 = arith.constant 16 : i32
        %shift_left3A_200 = vector.broadcast %shift_left3A_199 : i32 to vector<16xi32>
        %shift_left3A_201 = arith.shli %bitcast3A_196, %shift_left3A_200 : vector<16xi32>
        %bitcast3A_202 = vector.bitcast %shift_left3A_201 : vector<16xi32> to vector<16xf32>
        %add3A_203 = arith.addf %scan3A_165, %bitcast3A_198 : vector<16xf32>
        %add3A_204 = arith.addf %scan3A_167, %bitcast3A_202 : vector<16xf32>
        %get3A_205 = arith.index_cast %add3A_171 : i32 to index
        %get3A_206 = arith.constant 32 : index
        %get3A_207 = tpu.vector_load %arg13[%get3A_205, %get3A_206] {strides = array<i32>} : memref<80x64xi32, #tpu.memory_space<vmem>>, vector<16xi32>,
        %bitcast3A_208 = vector.bitcast %get3A_207 : vector<16xi32> to vector<32xbf16>
        %get3A_209 = arith.index_cast %add3A_171 : i32 to index
        %get3A_210 = arith.constant 32 : index
        %get3A_211 = tpu.vector_load %arg14[%get3A_209, %get3A_210] {strides = array<i32>} : memref<80x64xi32, #tpu.memory_space<vmem>>, vector<16xi32>,
        %bitcast3A_212 = vector.bitcast %get3A_211 : vector<16xi32> to vector<32xbf16>
        %sub3A_213 = arith.subf %bitcast3A_208, %bitcast3A_212 : vector<32xbf16>
        %mul3A_214 = arith.mulf %sub3A_213, %sub3A_213 : vector<32xbf16>
        %bitcast3A_215 = vector.bitcast %mul3A_214 : vector<32xbf16> to vector<16xi32>
        %and3A_216 = arith.andi %bitcast3A_215, %broadcast_in_dim3A_21 : vector<16xi32>
        %bitcast3A_217 = vector.bitcast %and3A_216 : vector<16xi32> to vector<16xf32>
        %shift_left3A_218 = arith.constant 16 : i32
        %shift_left3A_219 = vector.broadcast %shift_left3A_218 : i32 to vector<16xi32>
        %shift_left3A_220 = arith.shli %bitcast3A_215, %shift_left3A_219 : vector<16xi32>
        %bitcast3A_221 = vector.bitcast %shift_left3A_220 : vector<16xi32> to vector<16xf32>
        %add3A_222 = arith.addf %add3A_184, %bitcast3A_217 : vector<16xf32>
        %add3A_223 = arith.addf %add3A_185, %bitcast3A_221 : vector<16xf32>
        %get3A_224 = arith.index_cast %add3A_171 : i32 to index
        %get3A_225 = arith.constant 48 : index
        %get3A_226 = tpu.vector_load %arg13[%get3A_224, %get3A_225] {strides = array<i32>} : memref<80x64xi32, #tpu.memory_space<vmem>>, vector<16xi32>,
        %bitcast3A_227 = vector.bitcast %get3A_226 : vector<16xi32> to vector<32xbf16>
        %get3A_228 = arith.index_cast %add3A_171 : i32 to index
        %get3A_229 = arith.constant 48 : index
        %get3A_230 = tpu.vector_load %arg14[%get3A_228, %get3A_229] {strides = array<i32>} : memref<80x64xi32, #tpu.memory_space<vmem>>, vector<16xi32>,
        %bitcast3A_231 = vector.bitcast %get3A_230 : vector<16xi32> to vector<32xbf16>
        %sub3A_232 = arith.subf %bitcast3A_227, %bitcast3A_231 : vector<32xbf16>
        %mul3A_233 = arith.mulf %sub3A_232, %sub3A_232 : vector<32xbf16>
        %bitcast3A_234 = vector.bitcast %mul3A_233 : vector<32xbf16> to vector<16xi32>
        %and3A_235 = arith.andi %bitcast3A_234, %broadcast_in_dim3A_21 : vector<16xi32>
        %bitcast3A_236 = vector.bitcast %and3A_235 : vector<16xi32> to vector<16xf32>
        %shift_left3A_237 = arith.constant 16 : i32
        %shift_left3A_238 = vector.broadcast %shift_left3A_237 : i32 to vector<16xi32>
        %shift_left3A_239 = arith.shli %bitcast3A_234, %shift_left3A_238 : vector<16xi32>
        %bitcast3A_240 = vector.bitcast %shift_left3A_239 : vector<16xi32> to vector<16xf32>
        %add3A_241 = arith.addf %add3A_203, %bitcast3A_236 : vector<16xf32>
        %add3A_242 = arith.addf %add3A_204, %bitcast3A_240 : vector<16xf32>
        %mul3A_243 = arith.constant 2 : i32
        %mul3A_244 = arith.muli %mul3A_243, %scan3A_163 : i32
        %add3A_245 = arith.constant 1 : i32
        %add3A_246 = arith.addi %mul3A_244, %add3A_245 : i32
        %get3A_247 = arith.index_cast %add3A_246 : i32 to index
        %get3A_248 = arith.constant 0 : index
        %get3A_249 = tpu.vector_load %arg13[%get3A_247, %get3A_248] {strides = array<i32>} : memref<80x64xi32, #tpu.memory_space<vmem>>, vector<16xi32>,
        %bitcast3A_250 = vector.bitcast %get3A_249 : vector<16xi32> to vector<32xbf16>
        %get3A_251 = arith.index_cast %add3A_246 : i32 to index
        %get3A_252 = arith.constant 0 : index
        %get3A_253 = tpu.vector_load %arg14[%get3A_251, %get3A_252] {strides = array<i32>} : memref<80x64xi32, #tpu.memory_space<vmem>>, vector<16xi32>,
        %bitcast3A_254 = vector.bitcast %get3A_253 : vector<16xi32> to vector<32xbf16>
        %sub3A_255 = arith.subf %bitcast3A_250, %bitcast3A_254 : vector<32xbf16>
        %mul3A_256 = arith.mulf %sub3A_255, %sub3A_255 : vector<32xbf16>
        %bitcast3A_257 = vector.bitcast %mul3A_256 : vector<32xbf16> to vector<16xi32>
        %and3A_258 = arith.andi %bitcast3A_257, %broadcast_in_dim3A_21 : vector<16xi32>
        %bitcast3A_259 = vector.bitcast %and3A_258 : vector<16xi32> to vector<16xf32>
        %shift_left3A_260 = arith.constant 16 : i32
        %shift_left3A_261 = vector.broadcast %shift_left3A_260 : i32 to vector<16xi32>
        %shift_left3A_262 = arith.shli %bitcast3A_257, %shift_left3A_261 : vector<16xi32>
        %bitcast3A_263 = vector.bitcast %shift_left3A_262 : vector<16xi32> to vector<16xf32>
        %add3A_264 = arith.addf %add3A_222, %bitcast3A_259 : vector<16xf32>
        %add3A_265 = arith.addf %add3A_223, %bitcast3A_263 : vector<16xf32>
        %get3A_266 = arith.index_cast %add3A_246 : i32 to index
        %get3A_267 = arith.constant 16 : index
        %get3A_268 = tpu.vector_load %arg13[%get3A_266, %get3A_267] {strides = array<i32>} : memref<80x64xi32, #tpu.memory_space<vmem>>, vector<16xi32>,
        %bitcast3A_269 = vector.bitcast %get3A_268 : vector<16xi32> to vector<32xbf16>
        %get3A_270 = arith.index_cast %add3A_246 : i32 to index
        %get3A_271 = arith.constant 16 : index
        %get3A_272 = tpu.vector_load %arg14[%get3A_270, %get3A_271] {strides = array<i32>} : memref<80x64xi32, #tpu.memory_space<vmem>>, vector<16xi32>,
        %bitcast3A_273 = vector.bitcast %get3A_272 : vector<16xi32> to vector<32xbf16>
        %sub3A_274 = arith.subf %bitcast3A_269, %bitcast3A_273 : vector<32xbf16>
        %mul3A_275 = arith.mulf %sub3A_274, %sub3A_274 : vector<32xbf16>
        %bitcast3A_276 = vector.bitcast %mul3A_275 : vector<32xbf16> to vector<16xi32>
        %and3A_277 = arith.andi %bitcast3A_276, %broadcast_in_dim3A_21 : vector<16xi32>
        %bitcast3A_278 = vector.bitcast %and3A_277 : vector<16xi32> to vector<16xf32>
        %shift_left3A_279 = arith.constant 16 : i32
        %shift_left3A_280 = vector.broadcast %shift_left3A_279 : i32 to vector<16xi32>
        %shift_left3A_281 = arith.shli %bitcast3A_276, %shift_left3A_280 : vector<16xi32>
        %bitcast3A_282 = vector.bitcast %shift_left3A_281 : vector<16xi32> to vector<16xf32>
        %add3A_283 = arith.addf %add3A_241, %bitcast3A_278 : vector<16xf32>
        %add3A_284 = arith.addf %add3A_242, %bitcast3A_282 : vector<16xf32>
        %get3A_285 = arith.index_cast %add3A_246 : i32 to index
        %get3A_286 = arith.constant 32 : index
        %get3A_287 = tpu.vector_load %arg13[%get3A_285, %get3A_286] {strides = array<i32>} : memref<80x64xi32, #tpu.memory_space<vmem>>, vector<16xi32>,
        %bitcast3A_288 = vector.bitcast %get3A_287 : vector<16xi32> to vector<32xbf16>
        %get3A_289 = arith.index_cast %add3A_246 : i32 to index
        %get3A_290 = arith.constant 32 : index
        %get3A_291 = tpu.vector_load %arg14[%get3A_289, %get3A_290] {strides = array<i32>} : memref<80x64xi32, #tpu.memory_space<vmem>>, vector<16xi32>,
        %bitcast3A_292 = vector.bitcast %get3A_291 : vector<16xi32> to vector<32xbf16>
        %sub3A_293 = arith.subf %bitcast3A_288, %bitcast3A_292 : vector<32xbf16>
        %mul3A_294 = arith.mulf %sub3A_293, %sub3A_293 : vector<32xbf16>
        %bitcast3A_295 = vector.bitcast %mul3A_294 : vector<32xbf16> to vector<16xi32>
        %and3A_296 = arith.andi %bitcast3A_295, %broadcast_in_dim3A_21 : vector<16xi32>
        %bitcast3A_297 = vector.bitcast %and3A_296 : vector<16xi32> to vector<16xf32>
        %shift_left3A_298 = arith.constant 16 : i32
        %shift_left3A_299 = vector.broadcast %shift_left3A_298 : i32 to vector<16xi32>
        %shift_left3A_300 = arith.shli %bitcast3A_295, %shift_left3A_299 : vector<16xi32>
        %bitcast3A_301 = vector.bitcast %shift_left3A_300 : vector<16xi32> to vector<16xf32>
        %add3A_302 = arith.addf %add3A_264, %bitcast3A_297 : vector<16xf32>
        %add3A_303 = arith.addf %add3A_265, %bitcast3A_301 : vector<16xf32>
        %get3A_304 = arith.index_cast %add3A_246 : i32 to index
        %get3A_305 = arith.constant 48 : index
        %get3A_306 = tpu.vector_load %arg13[%get3A_304, %get3A_305] {strides = array<i32>} : memref<80x64xi32, #tpu.memory_space<vmem>>, vector<16xi32>,
        %bitcast3A_307 = vector.bitcast %get3A_306 : vector<16xi32> to vector<32xbf16>
        %get3A_308 = arith.index_cast %add3A_246 : i32 to index
        %get3A_309 = arith.constant 48 : index
        %get3A_310 = tpu.vector_load %arg14[%get3A_308, %get3A_309] {strides = array<i32>} : memref<80x64xi32, #tpu.memory_space<vmem>>, vector<16xi32>,
        %bitcast3A_311 = vector.bitcast %get3A_310 : vector<16xi32> to vector<32xbf16>
        %sub3A_312 = arith.subf %bitcast3A_307, %bitcast3A_311 : vector<32xbf16>
        %mul3A_313 = arith.mulf %sub3A_312, %sub3A_312 : vector<32xbf16>
        %bitcast3A_314 = vector.bitcast %mul3A_313 : vector<32xbf16> to vector<16xi32>
        %and3A_315 = arith.andi %bitcast3A_314, %broadcast_in_dim3A_21 : vector<16xi32>
        %bitcast3A_316 = vector.bitcast %and3A_315 : vector<16xi32> to vector<16xf32>
        %shift_left3A_317 = arith.constant 16 : i32
        %shift_left3A_318 = vector.broadcast %shift_left3A_317 : i32 to vector<16xi32>
        %shift_left3A_319 = arith.shli %bitcast3A_314, %shift_left3A_318 : vector<16xi32>
        %bitcast3A_320 = vector.bitcast %shift_left3A_319 : vector<16xi32> to vector<16xf32>
        %add3A_321 = arith.addf %add3A_283, %bitcast3A_316 : vector<16xf32>
        %add3A_322 = arith.addf %add3A_284, %bitcast3A_320 : vector<16xf32>
        scf.yield %add3A_302, %add3A_321, %add3A_303, %add3A_322 : vector<16xf32>, vector<16xf32>, vector<16xf32>, vector<16xf32>
      }
      %scan3A_162 = arith.constant 40 : i32
      scf.yield %scan3A_155, %scan3A_161#0, %scan3A_161#1, %scan3A_161#2, %scan3A_161#3 : vector<16xf32>, vector<16xf32>, vector<16xf32>, vector<16xf32>, vector<16xf32>
    }
    %scan3A_38 = arith.constant 62 : i32
    %dma_wait3A_39 = arith.constant 0 : i32
    %dma_wait3A_40 = arith.constant 0 : i32
    %dma_wait3A_41 = tpu.memref_slice %arg5[%dma_wait3A_39, %dma_wait3A_40] : memref<10000x64xi32, #tpu.memory_space<hbm>> -> memref<80x64xi32, #tpu.memory_space<hbm>>
    %dma_wait3A_42 = arith.constant 0 : i32
    %dma_wait3A_43 = arith.constant 0 : i32
    %dma_wait3A_44 = tpu.memref_slice %arg5[%dma_wait3A_42, %dma_wait3A_43] : memref<10000x64xi32, #tpu.memory_space<hbm>> -> memref<80x64xi32, #tpu.memory_space<hbm>>
    tpu.wait_dma2 semaphore(%arg16 : memref<!tpu.dma_semaphore, #tpu.memory_space<semaphore_mem>>) src(%dma_wait3A_44 : memref<80x64xi32, #tpu.memory_space<hbm>>) dst(%arg11 : memref<80x64xi32, #tpu.memory_space<vmem>>)
    %dma_wait3A_45 = arith.constant 0 : i32
    %dma_wait3A_46 = arith.constant 0 : i32
    %dma_wait3A_47 = tpu.memref_slice %arg5[%dma_wait3A_45, %dma_wait3A_46] : memref<10000x64xi32, #tpu.memory_space<hbm>> -> memref<80x64xi32, #tpu.memory_space<hbm>>
    %dma_wait3A_48 = arith.constant 0 : i32
    %dma_wait3A_49 = arith.constant 0 : i32
    %dma_wait3A_50 = tpu.memref_slice %arg5[%dma_wait3A_48, %dma_wait3A_49] : memref<10000x64xi32, #tpu.memory_space<hbm>> -> memref<80x64xi32, #tpu.memory_space<hbm>>
    tpu.wait_dma2 semaphore(%arg17 : memref<!tpu.dma_semaphore, #tpu.memory_space<semaphore_mem>>) src(%dma_wait3A_50 : memref<80x64xi32, #tpu.memory_space<hbm>>) dst(%arg12 : memref<80x64xi32, #tpu.memory_space<vmem>>)
    %scan3A_51 = arith.constant 0 : i32
    %scan3A_52 = arith.constant 5 : i32
    %scan3A_53 = arith.addi %scan3A_51, %scan3A_52 : i32
    %scan3A_54 = arith.constant 1 : i32
    %scan3A_55 = scf.for %scan3A_73 = %scan3A_51 to %scan3A_53 step %scan3A_54 iter_args(%scan3A_74 = %scan3A_37#0) -> (vector<16xf32>)  : i32 {
      %mul3A_75 = arith.constant 16 : i32
      %mul3A_76 = arith.muli %scan3A_73, %mul3A_75 : i32
      %add3A_77 = arith.constant 9920 : i32
      %add3A_78 = arith.addi %add3A_77, %mul3A_76 : i32
      %get3A = arith.index_cast %add3A_78 : i32 to index
      %get3A_79 = tpu.vector_load %arg7[%get3A] {strides = array<i32>} : memref<10000xi32, #tpu.memory_space<vmem>>, vector<16xi32>,
      %get3A_80 = arith.index_cast %add3A_78 : i32 to index
      %get3A_81 = tpu.vector_load %arg8[%get3A_80] {strides = array<i32>} : memref<10000xi32, #tpu.memory_space<vmem>>, vector<16xi32>,
      %gather3A = tpu.vector_load_idx %arg9[%get3A_79] : memref<10000xf32, #tpu.memory_space<vmem>>[vector<16xi32>], vector<16xf32>,
      %gather3A_82 = tpu.vector_load_idx %arg9[%get3A_81] : memref<10000xf32, #tpu.memory_space<vmem>>[vector<16xi32>], vector<16xf32>,
      %gather3A_83 = tpu.vector_load_idx %arg10[%get3A_79] : memref<10000xf32, #tpu.memory_space<vmem>>[vector<16xi32>], vector<16xf32>,
      %gather3A_84 = tpu.vector_load_idx %arg10[%get3A_81] : memref<10000xf32, #tpu.memory_space<vmem>>[vector<16xi32>], vector<16xf32>,
      %mul3A_85 = arith.mulf %gather3A, %gather3A_82 : vector<16xf32>
      %mul3A_86 = arith.mulf %gather3A_83, %gather3A_84 : vector<16xf32>
      %add3A_87 = arith.addf %mul3A_85, %mul3A_86 : vector<16xf32>
      %add3A_88 = arith.addf %scan3A_74, %add3A_87 : vector<16xf32>
      scf.yield %add3A_88 : vector<16xf32>
    }
    %scan3A_56 = arith.constant 5 : i32
    %scan3A_57 = arith.constant 0 : i32
    %scan3A_58 = arith.constant 40 : i32
    %scan3A_59 = arith.addi %scan3A_57, %scan3A_58 : i32
    %scan3A_60 = arith.constant 1 : i32
    %scan3A_61:4 = scf.for %scan3A_73 = %scan3A_57 to %scan3A_59 step %scan3A_60 iter_args(%scan3A_74 = %scan3A_37#1, %scan3A_75 = %scan3A_37#2, %scan3A_76 = %scan3A_37#3, %scan3A_77 = %scan3A_37#4) -> (vector<16xf32>, vector<16xf32>, vector<16xf32>, vector<16xf32>)  : i32 {
      %mul3A_78 = arith.constant 2 : i32
      %mul3A_79 = arith.muli %mul3A_78, %scan3A_73 : i32
      %add3A_80 = arith.constant 0 : i32
      %add3A_81 = arith.addi %mul3A_79, %add3A_80 : i32
      %get3A = arith.index_cast %add3A_81 : i32 to index
      %get3A_82 = arith.constant 0 : index
      %get3A_83 = tpu.vector_load %arg11[%get3A, %get3A_82] {strides = array<i32>} : memref<80x64xi32, #tpu.memory_space<vmem>>, vector<16xi32>,
      %bitcast3A = vector.bitcast %get3A_83 : vector<16xi32> to vector<32xbf16>
      %get3A_84 = arith.index_cast %add3A_81 : i32 to index
      %get3A_85 = arith.constant 0 : index
      %get3A_86 = tpu.vector_load %arg12[%get3A_84, %get3A_85] {strides = array<i32>} : memref<80x64xi32, #tpu.memory_space<vmem>>, vector<16xi32>,
      %bitcast3A_87 = vector.bitcast %get3A_86 : vector<16xi32> to vector<32xbf16>
      %sub3A = arith.subf %bitcast3A, %bitcast3A_87 : vector<32xbf16>
      %mul3A_88 = arith.mulf %sub3A, %sub3A : vector<32xbf16>
      %bitcast3A_89 = vector.bitcast %mul3A_88 : vector<32xbf16> to vector<16xi32>
      %and3A = arith.andi %bitcast3A_89, %broadcast_in_dim3A_21 : vector<16xi32>
      %bitcast3A_90 = vector.bitcast %and3A : vector<16xi32> to vector<16xf32>
      %shift_left3A = arith.constant 16 : i32
      %shift_left3A_91 = vector.broadcast %shift_left3A : i32 to vector<16xi32>
      %shift_left3A_92 = arith.shli %bitcast3A_89, %shift_left3A_91 : vector<16xi32>
      %bitcast3A_93 = vector.bitcast %shift_left3A_92 : vector<16xi32> to vector<16xf32>
      %add3A_94 = arith.addf %scan3A_74, %bitcast3A_90 : vector<16xf32>
      %add3A_95 = arith.addf %scan3A_76, %bitcast3A_93 : vector<16xf32>
      %get3A_96 = arith.index_cast %add3A_81 : i32 to index
      %get3A_97 = arith.constant 16 : index
      %get3A_98 = tpu.vector_load %arg11[%get3A_96, %get3A_97] {strides = array<i32>} : memref<80x64xi32, #tpu.memory_space<vmem>>, vector<16xi32>,
      %bitcast3A_99 = vector.bitcast %get3A_98 : vector<16xi32> to vector<32xbf16>
      %get3A_100 = arith.index_cast %add3A_81 : i32 to index
      %get3A_101 = arith.constant 16 : index
      %get3A_102 = tpu.vector_load %arg12[%get3A_100, %get3A_101] {strides = array<i32>} : memref<80x64xi32, #tpu.memory_space<vmem>>, vector<16xi32>,
      %bitcast3A_103 = vector.bitcast %get3A_102 : vector<16xi32> to vector<32xbf16>
      %sub3A_104 = arith.subf %bitcast3A_99, %bitcast3A_103 : vector<32xbf16>
      %mul3A_105 = arith.mulf %sub3A_104, %sub3A_104 : vector<32xbf16>
      %bitcast3A_106 = vector.bitcast %mul3A_105 : vector<32xbf16> to vector<16xi32>
      %and3A_107 = arith.andi %bitcast3A_106, %broadcast_in_dim3A_21 : vector<16xi32>
      %bitcast3A_108 = vector.bitcast %and3A_107 : vector<16xi32> to vector<16xf32>
      %shift_left3A_109 = arith.constant 16 : i32
      %shift_left3A_110 = vector.broadcast %shift_left3A_109 : i32 to vector<16xi32>
      %shift_left3A_111 = arith.shli %bitcast3A_106, %shift_left3A_110 : vector<16xi32>
      %bitcast3A_112 = vector.bitcast %shift_left3A_111 : vector<16xi32> to vector<16xf32>
      %add3A_113 = arith.addf %scan3A_75, %bitcast3A_108 : vector<16xf32>
      %add3A_114 = arith.addf %scan3A_77, %bitcast3A_112 : vector<16xf32>
      %get3A_115 = arith.index_cast %add3A_81 : i32 to index
      %get3A_116 = arith.constant 32 : index
      %get3A_117 = tpu.vector_load %arg11[%get3A_115, %get3A_116] {strides = array<i32>} : memref<80x64xi32, #tpu.memory_space<vmem>>, vector<16xi32>,
      %bitcast3A_118 = vector.bitcast %get3A_117 : vector<16xi32> to vector<32xbf16>
      %get3A_119 = arith.index_cast %add3A_81 : i32 to index
      %get3A_120 = arith.constant 32 : index
      %get3A_121 = tpu.vector_load %arg12[%get3A_119, %get3A_120] {strides = array<i32>} : memref<80x64xi32, #tpu.memory_space<vmem>>, vector<16xi32>,
      %bitcast3A_122 = vector.bitcast %get3A_121 : vector<16xi32> to vector<32xbf16>
      %sub3A_123 = arith.subf %bitcast3A_118, %bitcast3A_122 : vector<32xbf16>
      %mul3A_124 = arith.mulf %sub3A_123, %sub3A_123 : vector<32xbf16>
      %bitcast3A_125 = vector.bitcast %mul3A_124 : vector<32xbf16> to vector<16xi32>
      %and3A_126 = arith.andi %bitcast3A_125, %broadcast_in_dim3A_21 : vector<16xi32>
      %bitcast3A_127 = vector.bitcast %and3A_126 : vector<16xi32> to vector<16xf32>
      %shift_left3A_128 = arith.constant 16 : i32
      %shift_left3A_129 = vector.broadcast %shift_left3A_128 : i32 to vector<16xi32>
      %shift_left3A_130 = arith.shli %bitcast3A_125, %shift_left3A_129 : vector<16xi32>
      %bitcast3A_131 = vector.bitcast %shift_left3A_130 : vector<16xi32> to vector<16xf32>
      %add3A_132 = arith.addf %add3A_94, %bitcast3A_127 : vector<16xf32>
      %add3A_133 = arith.addf %add3A_95, %bitcast3A_131 : vector<16xf32>
      %get3A_134 = arith.index_cast %add3A_81 : i32 to index
      %get3A_135 = arith.constant 48 : index
      %get3A_136 = tpu.vector_load %arg11[%get3A_134, %get3A_135] {strides = array<i32>} : memref<80x64xi32, #tpu.memory_space<vmem>>, vector<16xi32>,
      %bitcast3A_137 = vector.bitcast %get3A_136 : vector<16xi32> to vector<32xbf16>
      %get3A_138 = arith.index_cast %add3A_81 : i32 to index
      %get3A_139 = arith.constant 48 : index
      %get3A_140 = tpu.vector_load %arg12[%get3A_138, %get3A_139] {strides = array<i32>} : memref<80x64xi32, #tpu.memory_space<vmem>>, vector<16xi32>,
      %bitcast3A_141 = vector.bitcast %get3A_140 : vector<16xi32> to vector<32xbf16>
      %sub3A_142 = arith.subf %bitcast3A_137, %bitcast3A_141 : vector<32xbf16>
      %mul3A_143 = arith.mulf %sub3A_142, %sub3A_142 : vector<32xbf16>
      %bitcast3A_144 = vector.bitcast %mul3A_143 : vector<32xbf16> to vector<16xi32>
      %and3A_145 = arith.andi %bitcast3A_144, %broadcast_in_dim3A_21 : vector<16xi32>
      %bitcast3A_146 = vector.bitcast %and3A_145 : vector<16xi32> to vector<16xf32>
      %shift_left3A_147 = arith.constant 16 : i32
      %shift_left3A_148 = vector.broadcast %shift_left3A_147 : i32 to vector<16xi32>
      %shift_left3A_149 = arith.shli %bitcast3A_144, %shift_left3A_148 : vector<16xi32>
      %bitcast3A_150 = vector.bitcast %shift_left3A_149 : vector<16xi32> to vector<16xf32>
      %add3A_151 = arith.addf %add3A_113, %bitcast3A_146 : vector<16xf32>
      %add3A_152 = arith.addf %add3A_114, %bitcast3A_150 : vector<16xf32>
      %mul3A_153 = arith.constant 2 : i32
      %mul3A_154 = arith.muli %mul3A_153, %scan3A_73 : i32
      %add3A_155 = arith.constant 1 : i32
      %add3A_156 = arith.addi %mul3A_154, %add3A_155 : i32
      %get3A_157 = arith.index_cast %add3A_156 : i32 to index
      %get3A_158 = arith.constant 0 : index
      %get3A_159 = tpu.vector_load %arg11[%get3A_157, %get3A_158] {strides = array<i32>} : memref<80x64xi32, #tpu.memory_space<vmem>>, vector<16xi32>,
      %bitcast3A_160 = vector.bitcast %get3A_159 : vector<16xi32> to vector<32xbf16>
      %get3A_161 = arith.index_cast %add3A_156 : i32 to index
      %get3A_162 = arith.constant 0 : index
      %get3A_163 = tpu.vector_load %arg12[%get3A_161, %get3A_162] {strides = array<i32>} : memref<80x64xi32, #tpu.memory_space<vmem>>, vector<16xi32>,
      %bitcast3A_164 = vector.bitcast %get3A_163 : vector<16xi32> to vector<32xbf16>
      %sub3A_165 = arith.subf %bitcast3A_160, %bitcast3A_164 : vector<32xbf16>
      %mul3A_166 = arith.mulf %sub3A_165, %sub3A_165 : vector<32xbf16>
      %bitcast3A_167 = vector.bitcast %mul3A_166 : vector<32xbf16> to vector<16xi32>
      %and3A_168 = arith.andi %bitcast3A_167, %broadcast_in_dim3A_21 : vector<16xi32>
      %bitcast3A_169 = vector.bitcast %and3A_168 : vector<16xi32> to vector<16xf32>
      %shift_left3A_170 = arith.constant 16 : i32
      %shift_left3A_171 = vector.broadcast %shift_left3A_170 : i32 to vector<16xi32>
      %shift_left3A_172 = arith.shli %bitcast3A_167, %shift_left3A_171 : vector<16xi32>
      %bitcast3A_173 = vector.bitcast %shift_left3A_172 : vector<16xi32> to vector<16xf32>
      %add3A_174 = arith.addf %add3A_132, %bitcast3A_169 : vector<16xf32>
      %add3A_175 = arith.addf %add3A_133, %bitcast3A_173 : vector<16xf32>
      %get3A_176 = arith.index_cast %add3A_156 : i32 to index
      %get3A_177 = arith.constant 16 : index
      %get3A_178 = tpu.vector_load %arg11[%get3A_176, %get3A_177] {strides = array<i32>} : memref<80x64xi32, #tpu.memory_space<vmem>>, vector<16xi32>,
      %bitcast3A_179 = vector.bitcast %get3A_178 : vector<16xi32> to vector<32xbf16>
      %get3A_180 = arith.index_cast %add3A_156 : i32 to index
      %get3A_181 = arith.constant 16 : index
      %get3A_182 = tpu.vector_load %arg12[%get3A_180, %get3A_181] {strides = array<i32>} : memref<80x64xi32, #tpu.memory_space<vmem>>, vector<16xi32>,
      %bitcast3A_183 = vector.bitcast %get3A_182 : vector<16xi32> to vector<32xbf16>
      %sub3A_184 = arith.subf %bitcast3A_179, %bitcast3A_183 : vector<32xbf16>
      %mul3A_185 = arith.mulf %sub3A_184, %sub3A_184 : vector<32xbf16>
      %bitcast3A_186 = vector.bitcast %mul3A_185 : vector<32xbf16> to vector<16xi32>
      %and3A_187 = arith.andi %bitcast3A_186, %broadcast_in_dim3A_21 : vector<16xi32>
      %bitcast3A_188 = vector.bitcast %and3A_187 : vector<16xi32> to vector<16xf32>
      %shift_left3A_189 = arith.constant 16 : i32
      %shift_left3A_190 = vector.broadcast %shift_left3A_189 : i32 to vector<16xi32>
      %shift_left3A_191 = arith.shli %bitcast3A_186, %shift_left3A_190 : vector<16xi32>
      %bitcast3A_192 = vector.bitcast %shift_left3A_191 : vector<16xi32> to vector<16xf32>
      %add3A_193 = arith.addf %add3A_151, %bitcast3A_188 : vector<16xf32>
      %add3A_194 = arith.addf %add3A_152, %bitcast3A_192 : vector<16xf32>
      %get3A_195 = arith.index_cast %add3A_156 : i32 to index
      %get3A_196 = arith.constant 32 : index
      %get3A_197 = tpu.vector_load %arg11[%get3A_195, %get3A_196] {strides = array<i32>} : memref<80x64xi32, #tpu.memory_space<vmem>>, vector<16xi32>,
      %bitcast3A_198 = vector.bitcast %get3A_197 : vector<16xi32> to vector<32xbf16>
      %get3A_199 = arith.index_cast %add3A_156 : i32 to index
      %get3A_200 = arith.constant 32 : index
      %get3A_201 = tpu.vector_load %arg12[%get3A_199, %get3A_200] {strides = array<i32>} : memref<80x64xi32, #tpu.memory_space<vmem>>, vector<16xi32>,
      %bitcast3A_202 = vector.bitcast %get3A_201 : vector<16xi32> to vector<32xbf16>
      %sub3A_203 = arith.subf %bitcast3A_198, %bitcast3A_202 : vector<32xbf16>
      %mul3A_204 = arith.mulf %sub3A_203, %sub3A_203 : vector<32xbf16>
      %bitcast3A_205 = vector.bitcast %mul3A_204 : vector<32xbf16> to vector<16xi32>
      %and3A_206 = arith.andi %bitcast3A_205, %broadcast_in_dim3A_21 : vector<16xi32>
      %bitcast3A_207 = vector.bitcast %and3A_206 : vector<16xi32> to vector<16xf32>
      %shift_left3A_208 = arith.constant 16 : i32
      %shift_left3A_209 = vector.broadcast %shift_left3A_208 : i32 to vector<16xi32>
      %shift_left3A_210 = arith.shli %bitcast3A_205, %shift_left3A_209 : vector<16xi32>
      %bitcast3A_211 = vector.bitcast %shift_left3A_210 : vector<16xi32> to vector<16xf32>
      %add3A_212 = arith.addf %add3A_174, %bitcast3A_207 : vector<16xf32>
      %add3A_213 = arith.addf %add3A_175, %bitcast3A_211 : vector<16xf32>
      %get3A_214 = arith.index_cast %add3A_156 : i32 to index
      %get3A_215 = arith.constant 48 : index
      %get3A_216 = tpu.vector_load %arg11[%get3A_214, %get3A_215] {strides = array<i32>} : memref<80x64xi32, #tpu.memory_space<vmem>>, vector<16xi32>,
      %bitcast3A_217 = vector.bitcast %get3A_216 : vector<16xi32> to vector<32xbf16>
      %get3A_218 = arith.index_cast %add3A_156 : i32 to index
      %get3A_219 = arith.constant 48 : index
      %get3A_220 = tpu.vector_load %arg12[%get3A_218, %get3A_219] {strides = array<i32>} : memref<80x64xi32, #tpu.memory_space<vmem>>, vector<16xi32>,
      %bitcast3A_221 = vector.bitcast %get3A_220 : vector<16xi32> to vector<32xbf16>
      %sub3A_222 = arith.subf %bitcast3A_217, %bitcast3A_221 : vector<32xbf16>
      %mul3A_223 = arith.mulf %sub3A_222, %sub3A_222 : vector<32xbf16>
      %bitcast3A_224 = vector.bitcast %mul3A_223 : vector<32xbf16> to vector<16xi32>
      %and3A_225 = arith.andi %bitcast3A_224, %broadcast_in_dim3A_21 : vector<16xi32>
      %bitcast3A_226 = vector.bitcast %and3A_225 : vector<16xi32> to vector<16xf32>
      %shift_left3A_227 = arith.constant 16 : i32
      %shift_left3A_228 = vector.broadcast %shift_left3A_227 : i32 to vector<16xi32>
      %shift_left3A_229 = arith.shli %bitcast3A_224, %shift_left3A_228 : vector<16xi32>
      %bitcast3A_230 = vector.bitcast %shift_left3A_229 : vector<16xi32> to vector<16xf32>
      %add3A_231 = arith.addf %add3A_193, %bitcast3A_226 : vector<16xf32>
      %add3A_232 = arith.addf %add3A_194, %bitcast3A_230 : vector<16xf32>
      scf.yield %add3A_212, %add3A_231, %add3A_213, %add3A_232 : vector<16xf32>, vector<16xf32>, vector<16xf32>, vector<16xf32>
    }
    %scan3A_62 = arith.constant 40 : i32
    %swap3A = arith.constant 0 : i32
    %swap3A_63 = arith.index_cast %swap3A : i32 to index
    %swap3A_64 = arith.constant 0 : index
    %swap3A_65 = tpu.vector_load %arg15[%swap3A_63, %swap3A_64] {strides = array<i32>} : memref<2x16xf32, #tpu.memory_space<vmem>>, vector<16xf32>,
    tpu.vector_store %arg15[%swap3A_63, %swap3A_64], %scan3A_55 {strides = array<i32>} : memref<2x16xf32, #tpu.memory_space<vmem>>, vector<16xf32>,
    %add3A_66 = arith.addf %scan3A_61#0, %scan3A_61#1 : vector<16xf32>
    %add3A_67 = arith.addf %scan3A_61#2, %scan3A_61#3 : vector<16xf32>
    %add3A_68 = arith.addf %add3A_66, %add3A_67 : vector<16xf32>
    %swap3A_69 = arith.constant 1 : i32
    %swap3A_70 = arith.index_cast %swap3A_69 : i32 to index
    %swap3A_71 = arith.constant 0 : index
    %swap3A_72 = tpu.vector_load %arg15[%swap3A_70, %swap3A_71] {strides = array<i32>} : memref<2x16xf32, #tpu.memory_space<vmem>>, vector<16xf32>,
    tpu.vector_store %arg15[%swap3A_70, %swap3A_71], %add3A_68 {strides = array<i32>} : memref<2x16xf32, #tpu.memory_space<vmem>>, vector<16xf32>,
    "tpu.region"() ({
      %run_scoped3A = tpu.sem_alloc : memref<!tpu.dma_semaphore, #tpu.memory_space<semaphore_mem>>
      %dma_start3A_73 = arith.constant 0 : i32
      %dma_start3A_74 = arith.constant 0 : i32
      %dma_start3A_75 = tpu.memref_slice %arg6[%add3A, %dma_start3A_73, %dma_start3A_74] : memref<32x2x16xf32, #tpu.memory_space<hbm>> -> memref<1x2x16xf32, #tpu.memory_space<hbm>>
      %dma_start3A_76 = tpu.memref_squeeze %dma_start3A_75 : memref<1x2x16xf32, #tpu.memory_space<hbm>> -> memref<2x16xf32, #tpu.memory_space<hbm>>
      %dma_start3A_77 = arith.constant 0 : i32
      %dma_start3A_78 = arith.constant 0 : i32
      %dma_start3A_79 = tpu.memref_slice %arg6[%add3A, %dma_start3A_77, %dma_start3A_78] : memref<32x2x16xf32, #tpu.memory_space<hbm>> -> memref<1x2x16xf32, #tpu.memory_space<hbm>>
      %dma_start3A_80 = tpu.memref_squeeze %dma_start3A_79 : memref<1x2x16xf32, #tpu.memory_space<hbm>> -> memref<2x16xf32, #tpu.memory_space<hbm>>
      tpu.enqueue_dma source(%arg15 : memref<2x16xf32, #tpu.memory_space<vmem>>) target(%dma_start3A_80 : memref<2x16xf32, #tpu.memory_space<hbm>>) target_semaphore(%run_scoped3A : memref<!tpu.dma_semaphore, #tpu.memory_space<semaphore_mem>>)
      %dma_wait3A_81 = arith.constant 0 : i32
      %dma_wait3A_82 = arith.constant 0 : i32
      %dma_wait3A_83 = tpu.memref_slice %arg6[%add3A, %dma_wait3A_81, %dma_wait3A_82] : memref<32x2x16xf32, #tpu.memory_space<hbm>> -> memref<1x2x16xf32, #tpu.memory_space<hbm>>
      %dma_wait3A_84 = tpu.memref_squeeze %dma_wait3A_83 : memref<1x2x16xf32, #tpu.memory_space<hbm>> -> memref<2x16xf32, #tpu.memory_space<hbm>>
      %dma_wait3A_85 = arith.constant 0 : i32
      %dma_wait3A_86 = arith.constant 0 : i32
      %dma_wait3A_87 = tpu.memref_slice %arg6[%add3A, %dma_wait3A_85, %dma_wait3A_86] : memref<32x2x16xf32, #tpu.memory_space<hbm>> -> memref<1x2x16xf32, #tpu.memory_space<hbm>>
      %dma_wait3A_88 = tpu.memref_squeeze %dma_wait3A_87 : memref<1x2x16xf32, #tpu.memory_space<hbm>> -> memref<2x16xf32, #tpu.memory_space<hbm>>
      tpu.wait_dma2 semaphore(%run_scoped3A : memref<!tpu.dma_semaphore, #tpu.memory_space<semaphore_mem>>) src(%arg15 : memref<2x16xf32, #tpu.memory_space<vmem>>) dst(%dma_wait3A_88 : memref<2x16xf32, #tpu.memory_space<hbm>>)
      tpu.yield
    }) : () -> ()
    return
  }
}

module attributes {stable_mosaic.version = 14 : i64} {
  func.func @_dense_body(%arg0: i32, %arg1: memref<10000xf32, #tpu.memory_space<vmem>>, %arg2: memref<10000xf32, #tpu.memory_space<vmem>>, %arg3: memref<1000x128xf32, #tpu.memory_space<vmem>>, %arg4: memref<1000x128xf32, #tpu.memory_space<vmem>>, %arg5: memref<1000x128xf32, #tpu.memory_space<vmem>>, %arg6: memref<10000xf32, #tpu.memory_space<vmem>>, %arg7: memref<10000xf32, #tpu.memory_space<vmem>>, %arg8: memref<1000x64xi32, #tpu.memory_space<vmem>>, %arg9: memref<1x1xf32, #tpu.memory_space<smem>>, %arg10: memref<1x1xf32, #tpu.memory_space<smem>>, %arg11: memref<1x1xf32, #tpu.memory_space<smem>>, %arg12: memref<1x1xf32, #tpu.memory_space<smem>>) attributes {dimension_semantics = [#tpu.dimension_semantics<arbitrary>], iteration_bounds = array<i64: 10>, scalar_prefetch = 0 : i64, scratch_operands = 0 : i64, tpu.core_type = #tpu.core_type<tc>, window_params = [{pipeline_mode = #tpu.pipeline_mode<synchronous>, transform_indices = @transform_0, window_bounds = array<i64: 10000>}, {pipeline_mode = #tpu.pipeline_mode<synchronous>, transform_indices = @transform_1, window_bounds = array<i64: 10000>}, {transform_indices = @transform_2, window_bounds = array<i64: 1000, 128>}, {transform_indices = @transform_3, window_bounds = array<i64: 1000, 128>}, {transform_indices = @transform_4, window_bounds = array<i64: 1000, 128>}, {pipeline_mode = #tpu.pipeline_mode<synchronous>, transform_indices = @transform_5, window_bounds = array<i64: 10000>}, {pipeline_mode = #tpu.pipeline_mode<synchronous>, transform_indices = @transform_6, window_bounds = array<i64: 10000>}, {transform_indices = @transform_7, window_bounds = array<i64: 1000, 64>}, {transform_indices = @transform_8, window_bounds = array<i64: 1, 1>}, {transform_indices = @transform_9, window_bounds = array<i64: 1, 1>}, {transform_indices = @transform_10, window_bounds = array<i64: 1, 1>}, {transform_indices = @transform_11, window_bounds = array<i64: 1, 1>}]} {
    %eq3A = arith.constant 0 : i32
    %eq3A_0 = arith.cmpi eq, %arg0, %eq3A : i32
    %convert_element_type3A = arith.extui %eq3A_0 : i1 to i32
    %cond3A = arith.constant 0 : i32
    %cond3A_1 = arith.cmpi ne, %convert_element_type3A, %cond3A : i32
    scf.if %cond3A_1 {
      %get3A_51 = arith.constant 0 : index
      %get3A_52 = vector.load %arg1[%get3A_51] : memref<10000xf32, #tpu.memory_space<vmem>>, vector<10000xf32>
      %cos3A = math.cos %get3A_52 : vector<10000xf32>
      %swap3A_53 = arith.constant 0 : index
      %swap3A_54 = vector.load %arg6[%swap3A_53] : memref<10000xf32, #tpu.memory_space<vmem>>, vector<10000xf32>
      tpu.vector_store %arg6[%swap3A_53], %cos3A {strides = array<i32>} : memref<10000xf32, #tpu.memory_space<vmem>>, vector<10000xf32>,
      %sin3A = math.sin %get3A_52 : vector<10000xf32>
      %swap3A_55 = arith.constant 0 : index
      %swap3A_56 = vector.load %arg7[%swap3A_55] : memref<10000xf32, #tpu.memory_space<vmem>>, vector<10000xf32>
      tpu.vector_store %arg7[%swap3A_55], %sin3A {strides = array<i32>} : memref<10000xf32, #tpu.memory_space<vmem>>, vector<10000xf32>,
      %get3A_57 = arith.constant 0 : index
      %get3A_58 = vector.load %arg2[%get3A_57] : memref<10000xf32, #tpu.memory_space<vmem>>, vector<10000xf32>
      %mul3A_59 = arith.constant 5.000000e-01 : f32
      %mul3A_60 = vector.broadcast %mul3A_59 : f32 to vector<10000xf32>
      %mul3A_61 = arith.mulf %mul3A_60, %get3A_58 : vector<10000xf32>
      %mul3A_62 = arith.mulf %mul3A_61, %get3A_58 : vector<10000xf32>
      %reduce_sum3A_63 = vector.shape_cast %mul3A_62 : vector<10000xf32> to vector<1x10000xf32>
      %reduce_sum3A_64 = arith.constant dense<0.000000e+00> : vector<1xf32>
      %reduce_sum3A_65 = vector.multi_reduction <add>, %reduce_sum3A_63, %reduce_sum3A_64 [1] : vector<1x10000xf32> to vector<1xf32>
      %reduce_sum3A_66 = vector.shape_cast %reduce_sum3A_65 : vector<1xf32> to vector<1x1xf32>
      %reduce_sum3A_67 = vector.extract %reduce_sum3A_66[0, 0] : f32 from vector<1x1xf32>
      %swap3A_68 = arith.constant 0 : index
      %swap3A_69 = arith.constant 0 : index
      %swap3A_70 = memref.load %arg9[%swap3A_68, %swap3A_69] : memref<1x1xf32, #tpu.memory_space<smem>>
      memref.store %reduce_sum3A_67, %arg9[%swap3A_68, %swap3A_69] : memref<1x1xf32, #tpu.memory_space<smem>>
      %mul3A_71 = arith.mulf %mul3A_62, %mul3A_62 : vector<10000xf32>
      %reduce_sum3A_72 = vector.shape_cast %mul3A_71 : vector<10000xf32> to vector<1x10000xf32>
      %reduce_sum3A_73 = arith.constant dense<0.000000e+00> : vector<1xf32>
      %reduce_sum3A_74 = vector.multi_reduction <add>, %reduce_sum3A_72, %reduce_sum3A_73 [1] : vector<1x10000xf32> to vector<1xf32>
      %reduce_sum3A_75 = vector.shape_cast %reduce_sum3A_74 : vector<1xf32> to vector<1x1xf32>
      %reduce_sum3A_76 = vector.extract %reduce_sum3A_75[0, 0] : f32 from vector<1x1xf32>
      %swap3A_77 = arith.constant 0 : index
      %swap3A_78 = arith.constant 0 : index
      %swap3A_79 = memref.load %arg10[%swap3A_77, %swap3A_78] : memref<1x1xf32, #tpu.memory_space<smem>>
      memref.store %reduce_sum3A_76, %arg10[%swap3A_77, %swap3A_78] : memref<1x1xf32, #tpu.memory_space<smem>>
      %sub3A_80 = arith.constant 4.000000e+00 : f32
      %sub3A_81 = vector.broadcast %sub3A_80 : f32 to vector<10000xf32>
      %sub3A_82 = arith.subf %mul3A_62, %sub3A_81 : vector<10000xf32>
      %max3A = arith.constant 0.000000e+00 : f32
      %max3A_83 = vector.broadcast %max3A : f32 to vector<10000xf32>
      %max3A_84 = arith.maximumf %sub3A_82, %max3A_83 : vector<10000xf32>
      %mul3A_85 = arith.mulf %max3A_84, %max3A_84 : vector<10000xf32>
      %reduce_sum3A_86 = vector.shape_cast %mul3A_85 : vector<10000xf32> to vector<1x10000xf32>
      %reduce_sum3A_87 = arith.constant dense<0.000000e+00> : vector<1xf32>
      %reduce_sum3A_88 = vector.multi_reduction <add>, %reduce_sum3A_86, %reduce_sum3A_87 [1] : vector<1x10000xf32> to vector<1xf32>
      %reduce_sum3A_89 = vector.shape_cast %reduce_sum3A_88 : vector<1xf32> to vector<1x1xf32>
      %reduce_sum3A_90 = vector.extract %reduce_sum3A_89[0, 0] : f32 from vector<1x1xf32>
      %swap3A_91 = arith.constant 0 : index
      %swap3A_92 = arith.constant 0 : index
      %swap3A_93 = memref.load %arg11[%swap3A_91, %swap3A_92] : memref<1x1xf32, #tpu.memory_space<smem>>
      memref.store %reduce_sum3A_90, %arg11[%swap3A_91, %swap3A_92] : memref<1x1xf32, #tpu.memory_space<smem>>
      %swap3A_94 = arith.constant 0.000000e+00 : f32
      %swap3A_95 = arith.constant 0 : index
      %swap3A_96 = arith.constant 0 : index
      %swap3A_97 = memref.load %arg12[%swap3A_95, %swap3A_96] : memref<1x1xf32, #tpu.memory_space<smem>>
      memref.store %swap3A_94, %arg12[%swap3A_95, %swap3A_96] : memref<1x1xf32, #tpu.memory_space<smem>>
    } else {
    }
    %get3A = arith.constant 0 : index
    %get3A_2 = arith.constant 0 : index
    %get3A_3 = vector.load %arg3[%get3A, %get3A_2] : memref<1000x128xf32, #tpu.memory_space<vmem>>, vector<1000x128xf32>
    %get3A_4 = arith.constant 0 : index
    %get3A_5 = arith.constant 0 : index
    %get3A_6 = vector.load %arg4[%get3A_4, %get3A_5] : memref<1000x128xf32, #tpu.memory_space<vmem>>, vector<1000x128xf32>
    %sub3A = arith.subf %get3A_3, %get3A_6 : vector<1000x128xf32>
    %get3A_7 = arith.constant 0 : index
    %get3A_8 = arith.constant 0 : index
    %get3A_9 = memref.load %arg12[%get3A_7, %get3A_8] : memref<1x1xf32, #tpu.memory_space<smem>>
    %mul3A = arith.mulf %sub3A, %sub3A : vector<1000x128xf32>
    %reduce_sum3A = vector.shape_cast %mul3A : vector<1000x128xf32> to vector<1x1000x128xf32>
    %reduce_sum3A_10 = arith.constant dense<0.000000e+00> : vector<1xf32>
    %reduce_sum3A_11 = vector.multi_reduction <add>, %reduce_sum3A, %reduce_sum3A_10 [1, 2] : vector<1x1000x128xf32> to vector<1xf32>
    %reduce_sum3A_12 = vector.shape_cast %reduce_sum3A_11 : vector<1xf32> to vector<1x1x1xf32>
    %reduce_sum3A_13 = vector.extract %reduce_sum3A_12[0, 0, 0] : f32 from vector<1x1x1xf32>
    %add3A = arith.addf %get3A_9, %reduce_sum3A_13 : f32
    %swap3A = arith.constant 0 : index
    %swap3A_14 = arith.constant 0 : index
    %swap3A_15 = memref.load %arg12[%swap3A, %swap3A_14] : memref<1x1xf32, #tpu.memory_space<smem>>
    memref.store %add3A, %arg12[%swap3A, %swap3A_14] : memref<1x1xf32, #tpu.memory_space<smem>>
    %get3A_16 = arith.constant 0 : index
    %get3A_17 = arith.constant 0 : index
    %get3A_18 = vector.load %arg5[%get3A_16, %get3A_17] : memref<1000x128xf32, #tpu.memory_space<vmem>>, vector<1000x64xf32>
    %get3A_19 = arith.constant 0 : index
    %get3A_20 = arith.constant 64 : index
    %get3A_21 = vector.load %arg5[%get3A_19, %get3A_20] : memref<1000x128xf32, #tpu.memory_space<vmem>>, vector<1000x64xf32>
    %bitcast_convert_type3A = tpu.bitcast %get3A_18 : vector<1000x64xf32> -> vector<1000x64xi32>
    %bitcast_convert_type3A_22 = tpu.bitcast %get3A_21 : vector<1000x64xf32> -> vector<1000x64xi32>
    %add3A_23 = arith.constant 32767 : i32
    %add3A_24 = vector.broadcast %add3A_23 : i32 to vector<1000x64xi32>
    %add3A_25 = arith.addi %bitcast_convert_type3A, %add3A_24 : vector<1000x64xi32>
    %shift_right_logical3A = arith.constant 16 : i32
    %shift_right_logical3A_26 = vector.broadcast %shift_right_logical3A : i32 to vector<1000x64xi32>
    %shift_right_logical3A_27 = arith.shrui %bitcast_convert_type3A, %shift_right_logical3A_26 : vector<1000x64xi32>
    %and3A = arith.constant 1 : i32
    %and3A_28 = vector.broadcast %and3A : i32 to vector<1000x64xi32>
    %and3A_29 = arith.andi %shift_right_logical3A_27, %and3A_28 : vector<1000x64xi32>
    %add3A_30 = arith.addi %add3A_25, %and3A_29 : vector<1000x64xi32>
    %add3A_31 = arith.constant 32767 : i32
    %add3A_32 = vector.broadcast %add3A_31 : i32 to vector<1000x64xi32>
    %add3A_33 = arith.addi %bitcast_convert_type3A_22, %add3A_32 : vector<1000x64xi32>
    %shift_right_logical3A_34 = arith.constant 16 : i32
    %shift_right_logical3A_35 = vector.broadcast %shift_right_logical3A_34 : i32 to vector<1000x64xi32>
    %shift_right_logical3A_36 = arith.shrui %bitcast_convert_type3A_22, %shift_right_logical3A_35 : vector<1000x64xi32>
    %and3A_37 = arith.constant 1 : i32
    %and3A_38 = vector.broadcast %and3A_37 : i32 to vector<1000x64xi32>
    %and3A_39 = arith.andi %shift_right_logical3A_36, %and3A_38 : vector<1000x64xi32>
    %add3A_40 = arith.addi %add3A_33, %and3A_39 : vector<1000x64xi32>
    %shift_right_logical3A_41 = arith.constant 16 : i32
    %shift_right_logical3A_42 = vector.broadcast %shift_right_logical3A_41 : i32 to vector<1000x64xi32>
    %shift_right_logical3A_43 = arith.shrui %add3A_30, %shift_right_logical3A_42 : vector<1000x64xi32>
    %and3A_44 = arith.constant -65536 : i32
    %and3A_45 = vector.broadcast %and3A_44 : i32 to vector<1000x64xi32>
    %and3A_46 = arith.andi %add3A_40, %and3A_45 : vector<1000x64xi32>
    %or3A = arith.ori %shift_right_logical3A_43, %and3A_46 : vector<1000x64xi32>
    %bitcast_convert_type3A_47 = tpu.bitcast %or3A : vector<1000x64xi32> -> vector<1000x64xi32>
    %swap3A_48 = arith.constant 0 : index
    %swap3A_49 = arith.constant 0 : index
    %swap3A_50 = vector.load %arg8[%swap3A_48, %swap3A_49] : memref<1000x64xi32, #tpu.memory_space<vmem>>, vector<1000x64xi32>
    tpu.vector_store %arg8[%swap3A_48, %swap3A_49], %bitcast_convert_type3A_47 {strides = array<i32>} : memref<1000x64xi32, #tpu.memory_space<vmem>>, vector<1000x64xi32>,
    return
  }
  func.func @transform_0(%arg0: i32) -> i32 {
    %c0_i32 = arith.constant 0 : i32
    %c0_i32_0 = arith.constant 0 : i32
    return %c0_i32 : i32
  }
  func.func @transform_1(%arg0: i32) -> i32 {
    %c0_i32 = arith.constant 0 : i32
    %c0_i32_0 = arith.constant 0 : i32
    return %c0_i32 : i32
  }
  func.func @transform_2(%arg0: i32) -> (i32, i32) {
    %c0_i32 = arith.constant 0 : i32
    %c0_i32_0 = arith.constant 0 : i32
    return %arg0, %c0_i32 : i32, i32
  }
  func.func @transform_3(%arg0: i32) -> (i32, i32) {
    %c0_i32 = arith.constant 0 : i32
    %c0_i32_0 = arith.constant 0 : i32
    return %arg0, %c0_i32 : i32, i32
  }
  func.func @transform_4(%arg0: i32) -> (i32, i32) {
    %c0_i32 = arith.constant 0 : i32
    %c0_i32_0 = arith.constant 0 : i32
    return %arg0, %c0_i32 : i32, i32
  }
  func.func @transform_5(%arg0: i32) -> i32 {
    %c0_i32 = arith.constant 0 : i32
    %c0_i32_0 = arith.constant 0 : i32
    return %c0_i32 : i32
  }
  func.func @transform_6(%arg0: i32) -> i32 {
    %c0_i32 = arith.constant 0 : i32
    %c0_i32_0 = arith.constant 0 : i32
    return %c0_i32 : i32
  }
  func.func @transform_7(%arg0: i32) -> (i32, i32) {
    %c0_i32 = arith.constant 0 : i32
    %c0_i32_0 = arith.constant 0 : i32
    return %arg0, %c0_i32 : i32, i32
  }
  func.func @transform_8(%arg0: i32) -> (i32, i32) {
    %c0_i32 = arith.constant 0 : i32
    %c0_i32_0 = arith.constant 0 : i32
    %c0_i32_1 = arith.constant 0 : i32
    return %c0_i32, %c0_i32_0 : i32, i32
  }
  func.func @transform_9(%arg0: i32) -> (i32, i32) {
    %c0_i32 = arith.constant 0 : i32
    %c0_i32_0 = arith.constant 0 : i32
    %c0_i32_1 = arith.constant 0 : i32
    return %c0_i32, %c0_i32_0 : i32, i32
  }
  func.func @transform_10(%arg0: i32) -> (i32, i32) {
    %c0_i32 = arith.constant 0 : i32
    %c0_i32_0 = arith.constant 0 : i32
    %c0_i32_1 = arith.constant 0 : i32
    return %c0_i32, %c0_i32_0 : i32, i32
  }
  func.func @transform_11(%arg0: i32) -> (i32, i32) {
    %c0_i32 = arith.constant 0 : i32
    %c0_i32_0 = arith.constant 0 : i32
    %c0_i32_1 = arith.constant 0 : i32
    return %c0_i32, %c0_i32_0 : i32, i32
  }
}

</mosaic_0001>

<sc_bundles>
// kernel: kernel.4.cloned.1.call-start
scs
__scs_entry_jumppad:
0x0: {  	(pc) =	sbr.rel $0x88, $3  }
0x1: {  	(tag) =	ssettag $0x0;
	lr =	simm.s32 $0x1  }
0x2: {  	[smem:$0x3F9B] =	sst lr;
	_ =	strace $0xD0000000  }
0x3: {  	_ = 	snop  }
0x4: {  	_ = 	snop  }
0x5: {  	_ = 	snop  }
0x6: {  	_ = 	snop  }
0x7: {  	_ = 	snop  }
__scs_overlays_trampoline_lowered:
0x8: {  	[smem:$0x3FAA] =	sst s0  }
0x9: {  	[smem:$0x3FAB] =	sst s1  }
0xa: {  	[smem:$0x3FAC] =	sst s2  }
0xb: {  	[smem:$0x3FAD] =	sst s3  }
0xc: {  	[smem:$0x3FAE] =	sst s4  }
0xd: {  	[smem:$0x3FAF] =	sst s5  }
0xe: {  	[smem:$0x3FB0] =	sst s6  }
0xf: {  	[smem:$0x3FB1] =	sst s7  }
0x10: {  	[smem:$0x3FB2] =	sst s8  }
0x11: {  	[smem:$0x3FB3] =	sst s9;
	s0 =	simm.s32 @!p0 $0x0  }
0x12: {  	s1 =	sld [smem:$0x3F99];
	s0 =	simm.s32 @p0 $0x1  }
0x13: {  	[smem:$0x3FB4] =	sst s0;
	s0 =	simm.s32 @!p1 $0x0  }
0x14: {  	s2 =	sld [smem:$0x3F98];
	s0 =	simm.s32 @p1 $0x1  }
0x15: {  	[smem:$0x3FB5] =	sst s0;
	s0 =	simm.s32 @!p2 $0x0  }
0x16: {  	s3 =	sld [smem:$0x3FDB];
	s0 =	simm.s32 @p2 $0x1  }
0x17: {  	s4 =	simm.s32 $0x1BF5;
	[smem:$0x3FB7] =	sst s0  }
0x18: {  	s0 =	sld [smem:$0x3F9A];
	_ =	swait.ge [sflag:s4], $0x0  }
0x19: {  	s7 =	sld [smem:$0x3F9B]  }
0x1a: {  	s8 =	sadd.s32 $0xFFFFE003, lr  }
0x1b: {  	s9 =	sadd.s32 $0xFFFFFEF7, lr;
	s5 =	simm.s32 $0xFFFFFFFF;
	p2 =	slt.u32 s8, $0xFFFFF086  }
0x1c: {  	p1 =	slt.u32 s9, $0xF7A;
	s5 =	simm.s32 @!p2 $0x0  }
0x1d: {  	s5 =	simm.s32 @p1 $0x1;
	p0 =	seq.s32 s7, s2  }
0x1e: {  	s7 =	smul.u32 @!p0 $0xF7A, s2;
	p2 =	seq.s32 @!p0 s5, $0x0  }
0x1f: {  	s9 =	smul.u32 $0xF7A, s1;
	s8 =	simm.s32 @!p0 $0x1BF5;
	p2 =	por !p2, p0  }
0x20: {  	[sflag:s8] =	ssyncset.s32 @!p0 $0xFFFFF086;
	s6 =	sadd.s32 @!p0 s3, s7;
	s7 =	simm.s32 @!p0 $0x108  }
0x21: {  	s3 =	sadd.s32 s3, s9;
	s6 =	sadd.s32 @!p0 $0x88, s6;
	s7 =	simm.s32 @p2 $0x1082  }
0x22: {  	[simem:s7], [sflag:s8] =	dma.local @!p0 [hbm:s6], $0xF7A  }
0x23: {  	s9 =	sor.u32 $0xD0000000, s2;
	s6 =	simm.s32 $0x108;
	_ =	swait.ge @!p0 [sflag:s8], $0x0  }
0x24: {  	s3 =	sadd.s32 $0x88, s3;
	s6 =	simm.s32 @!p1 $0x1082;
	[sflag:s4] =	ssyncset.s32 $0xFFFFF086  }
0x25: {  	[simem:s6], [sflag:s4] =	dma.local [hbm:s3], $0xF7A  }
0x26: {  	[smem:$0x3F9B] =	sst s1;
	(tag) =	ssettag s2;
	_ =	strace s9  }
0x27: {  	s1 =	sld [smem:$0x3FAB]  }
0x28: {  	s2 =	sld [smem:$0x3FAC]  }
0x29: {  	s4 =	sld [smem:$0x3FAE]  }
0x2a: {  	p0 =	seq.s32 s5, $0x0;
	s5 =	sld [smem:$0x3FAF]  }
0x2b: {  	s6 =	sld [smem:$0x3FB0]  }
0x2c: {  	s7 =	sld [smem:$0x3FB1]  }
0x2d: {  	s3 =	simm.s32 $0x108;
	s8 =	sld [smem:$0x3FB2]  }
0x2e: {  	s3 =	simm.s32 @!p0 $0x1082;
	s9 =	sld [smem:$0x3FB3]  }
0x2f: {  	lr =	sadd.s32 s0, s3;
	s0 =	sld [smem:$0x3FAA]  }
0x30: {  	s3 =	sld [smem:$0x3FAD]  }
0x31: {  	[smem:$0x3FB6] =	sst s10  }
0x32: {  	s10 =	sld [smem:$0x3FB4];
	_ =	sdelay $0x3  }
0x33: {  	p0 =	seq.s32 s10, $0x1;
	s10 =	sld [smem:$0x3FB6];
	_ =	sdelay $0x3  }
0x34: {  	[smem:$0x3FB6] =	sst s10  }
0x35: {  	s10 =	sld [smem:$0x3FB5];
	_ =	sdelay $0x3  }
0x36: {  	p1 =	seq.s32 s10, $0x1;
	s10 =	sld [smem:$0x3FB6];
	_ =	sdelay $0x3  }
0x37: {  	[smem:$0x3FB6] =	sst s10  }
0x38: {  	s10 =	sld [smem:$0x3FB7]  }
0x39: {  	_ = 	snop;
	(pc) =	sbr.ind lr, $3  }
0x3a: {  	_ = 	snop  }
0x3b: {  	_ = 	snop  }
0x3c: {  	p2 =	seq.s32 s10, $0x1;
	s10 =	sld [smem:$0x3FB6]  }
0x3d: {  	_ =	shalt  }
0x3e: {  	_ =	shalt  }
0x3f: {  	_ =	shalt  }
0x40: {  	_ =	shalt  }
0x41: {  	_ =	shalt  }
0x42: {  	_ =	shalt  }
0x43: {  	_ =	shalt  }
0x44: {  	_ =	shalt  }
0x45: {  	_ =	shalt  }
0x46: {  	_ =	shalt  }
0x47: {  	_ =	shalt  }
0x48: {  	_ =	shalt  }
0x49: {  	_ =	shalt  }
0x4a: {  	_ =	shalt  }
0x4b: {  	_ =	shalt  }
0x4c: {  	_ =	shalt  }
0x4d: {  	_ =	shalt  }
0x4e: {  	_ =	shalt  }
0x4f: {  	_ =	shalt  }
0x50: {  	_ =	shalt  }
0x51: {  	_ =	shalt  }
0x52: {  	_ =	shalt  }
0x53: {  	_ =	shalt  }
0x54: {  	_ =	shalt  }
0x55: {  	_ =	shalt  }
0x56: {  	_ =	shalt  }
0x57: {  	_ =	shalt  }
0x58: {  	_ =	shalt  }
0x59: {  	_ =	shalt  }
0x5a: {  	_ =	shalt  }
0x5b: {  	_ =	shalt  }
0x5c: {  	_ =	shalt  }
0x5d: {  	_ =	shalt  }
0x5e: {  	_ =	shalt  }
0x5f: {  	_ =	shalt  }
0x60: {  	_ =	shalt  }
0x61: {  	_ =	shalt  }
0x62: {  	_ =	shalt  }
0x63: {  	_ =	shalt  }
0x64: {  	_ =	shalt  }
0x65: {  	_ =	shalt  }
0x66: {  	_ =	shalt  }
0x67: {  	_ =	shalt  }
0x68: {  	_ =	shalt  }
0x69: {  	_ =	shalt  }
0x6a: {  	_ =	shalt  }
0x6b: {  	_ =	shalt  }
0x6c: {  	_ =	shalt  }
0x6d: {  	_ =	shalt  }
0x6e: {  	_ =	shalt  }
0x6f: {  	_ =	shalt  }
0x70: {  	_ =	shalt  }
0x71: {  	_ =	shalt  }
0x72: {  	_ =	shalt  }
0x73: {  	_ =	shalt  }
0x74: {  	_ =	shalt  }
0x75: {  	_ =	shalt  }
0x76: {  	_ =	shalt  }
0x77: {  	_ =	shalt  }
0x78: {  	_ =	shalt  }
0x79: {  	_ =	shalt  }
0x7a: {  	_ =	shalt  }
0x7b: {  	_ =	shalt  }
0x7c: {  	_ =	shalt  }
0x7d: {  	_ =	shalt  }
0x7e: {  	_ =	shalt  }
0x7f: {  	_ =	shalt  }
0x80: {  	_ =	shalt  }
0x81: {  	_ =	shalt  }
0x82: {  	_ =	shalt  }
0x83: {  	_ =	shalt  }
0x84: {  	_ =	shalt  }
0x85: {  	_ =	shalt  }
0x86: {  	_ =	shalt  }
0x87: {  	_ =	shalt  }
.Lfunc_end0:
.L_simem_size_0:
called_computation_lowered:
.L_overlay_start_0:
0x88: {  	s2 =	sld [smem:$0x3FD9]  }
0x89: {  	s3 =	sld [smem:$0x3FFE];
	_ =	sdelay $0x1  }
0x8a: {  	s1 =	srdreg.scid  }
0x8b: {  	s0 =	sand.u32 $0x1, s1  }
0x8c: {  	s16 =	sshll.u32 s0, $0xA;
	s2 =	sadd.s32 s3, s2  }
0x8d: {  	s2 =	sadd.s32 s2, s16  }
0x8e: {  	[smem:$0x3FC2] =	sst s2  }
0x8f: {  	_ = 	snop  }
0x90: {  	(tm) =	ssettm $0x1  }
0x91: {  	s17 =	sld [smem:$0x3FFB];
	_ =	sdelay $0x3  }
0x92: {  	_ =	strace s17  }
0x93: {  	s2 =	sld [smem:$0x3FFC];
	_ =	sdelay $0x3  }
0x94: {  	_ =	strace s2  }
0x95: {  	s2 =	sld [smem:$0x3FFD];
	_ =	sdelay $0x3  }
0x96: {  	_ =	strace s2  }
0x97: {  	_ =	strace $0x8FFFFFFF  }
0x98: {  	s18 =	sld [smem:$0x3FDB];
	_ =	sdelay $0x1  }
0x99: {  	s19 =	simm.s32 $_scs_section_size  }
0x9a: {  	s4 =	simm.s32 $_size__tile_overlayer_lowered;
	s5 =	simm.s32 $_tile_overlayer_lowered  }
0x9b: {  	s22 =	simm.s32 $0x1BFF;
	s21 =	sshll.u32 s5, $0x1;
	s2 =	sadd.s32 s19, s18  }
0x9c: {  	s6 =	simm.s32 $0x0;
	s20 =	sshll.u32 s4, $0x1;
	s4 =	sadd.s32 s21, s2  }
0x9d: {  	[timem:s6], [sflag:s22] =	dma.local [hbm:s4], s20  }
0x9e: {  	_ =	swait.ge [sflag:s22], s20  }
0x9f: {  	s3 =	ssub.s32 $0x0, s20;
	[sflag:s22] =	ssyncset.done $0x0  }
0xa0: {  	[sflag:s22] =	ssyncadd.s32 s3;
	_ =	sdelay $0x1  }
0xa1: {  	s23 =	simm.s32 $0x1B8B  }
0xa2: {  	_ =	swait.ge [sflag:s23], $0x1  }
0xa3: {  	[sflag:s23] =	ssyncset.done $0x0  }
0xa4: {  	s25 =	simm.s32 $0x1B8E;
	s24 =	sld [smem:$0x3FFE];
	[sflag:s23] =	ssyncadd.s32 $0xFFFFFFFF  }
0xa5: {  	s26 =	simm.s32 $execute0_lowered;
	[smem:$0x3FD2] =	sst s25  }
0xa6: {  	s4 =	sshll.u32 s26, $0x1;
	_ =	strace $0x80000046;
	[dreg:$0x1] =	wrdreg $0xFFFFFFFF  }
0xa7: {  	s28 =	simm.s32 $_size_execute0_lowered;
	s2 =	sadd.s32 s2, s4;
	[dreg:$0x0] =	wrdreg $0x0  }
0xa8: {  	s4 =	sshll.u32 s28, $0x1;
	[dreg:$0x2] =	wrdreg s2  }
0xa9: {  	[dreg:$0x3] =	wrdreg s4  }
0xaa: {  	[dreg:$0x4] =	wrdreg $0xC0  }
0xab: {  	_ =	task [dreg:s6], $0x5FFFF  }
0xac: {  	[dreg:$0x1] =	wrdreg $0xFFFFFFFF  }
0xad: {  	[dreg:$0x0] =	wrdreg $0x60  }
0xae: {  	[dreg:$0x2] =	wrdreg s24  }
0xaf: {  	[dreg:$0x3] =	wrdreg $0x9  }
0xb0: {  	_ =	task.clear_ibuf [dreg:s6], $0x4FFFF;
	_ =	strace $0x90000046  }
0xb1: {  	s29 =	simm.s32 $0x9;
	_ =	strace $0x80000048  }
0xb2: {  	_ =	swait.ge [sflag:s29], $0x1  }
0xb3: {  	[sflag:s29] =	ssyncadd.s32 $0xFFFFFFFF  }
0xb4: {  	_ =	strace $0x90000048  }
0xb5: {  	_ =	sfence  }
0xb6: {  	s30 =	sld [smem:$0x0];
	_ =	sdelay $0x2  }
0xb7: {  	s31 =	sshll.u32 s1, $0xD;
	s1 =	sshrl.u32 s1, $0x2  }
0xb8: {  	s3 =	sand.u32 $0x4000, s31;
	s1 =	sadd.s32 s1, s30  }
0xb9: {  	s0 =	sor.u32 s3, s0;
	s1 =	sshll.u32 s1, $0x11  }
0xba: {  	s0 =	sor.u32 s1, s0  }
0xbb: {  	s0 =	sadd.s32 $0x8F2B, s0  }
0xbc: {  	[sflag:s0] =	ssyncadd.remote.s32 $0x1  }
0xbd: {  	_ =	sfence.sel $0xFFFF  }
0xbe: {  	[dreg:$0x0] =	wrdreg $0xFFFFFFFF;
	(pc) =	sbr.abs _section_cstart, $3  }
0xbf: {  	[dreg:$0x1] =	wrdreg $0xFFFFFFFF  }
0xc0: {  	_ =	task.clear_ibuf [dreg:s6], $0x2FFFF;
	_ =	strace $0x9FFFFFFF  }
0xc1: {  	(tm) =	ssettm $0x7FFFFFFF  }
tec
execute0_lowered:
.L_overlay_start_1:
0x0: {  	(tag) =	ssettag $0x1  }
0x1: {  	s1 =	srdreg.scid  }
0x2: {  	s0 =	stileid.u32;
	s7 =	rddreg [dreg:$0x0];
	s2 =	simm.s32 $0x0  }
0x3: {  	s12 =	simm.s32 $0x7530;
	s13 =	simm.s32 $0x1;
	s14 =	simm.s32 $0x2  }
0x4: {  	s15 =	simm.s32 $0x50;
	s16 =	simm.s32 $0x9C40;
	s17 =	simm.s32 $0xB040  }
0x5: {  	s18 =	simm.s32 $0x3;
	s19 =	simm.s32 $0x4;
	s20 =	simm.s32 $0xC440  }
0x6: {  	s21 =	simm.s32 $0xD840;
	s22 =	simm.s32 $0xEC40;
	s23 =	simm.s32 $0x5  }
0x7: {  	s5 =	sand.u32 $0x1, s1;
	s31 =	sshll.u32 s0, $0x1;
	s1 =	rddreg [dreg:$0x1]  }
0x8: {  	s24 =	simm.s32 $0x0;
	[smem:$0x7FF] =	sst s2;
	s6 =	sor.u32 s5, s31  }
0x9: {  	s4 =	sadd.s32 $0x2000, s7;
	_ =	strace $0x80000047;
	s3 =	smul.u32 $0x2710, s6  }
0xa: {  	s9 =	ssub.s32 $0x2, s5;
	s5 =	sadd.s32 $0x2600, s7;
	s6 =	sshll.u32 s6, $0x2  }
0xb: {  	s10 =	sshrl.u32 s9, $0x1;
	s11 =	sadd.s32 s6, s7;
	s3 =	sshrl.u32 s3, $0x3  }
0xc: {  	s9 =	ssub.s32 s9, s10;
	s10 =	simm.s32 $0x2710;
	s8 =	sadd.s32 s3, s7  }
0xd: {  	s9 =	smax.u32 s9, $0x1;
	s3 =	sadd.s32 $0x1A00, s7;
	s6 =	sadd.s32 $0x16000, s8  }
0xe: {  	s7 =	sadd.s32 $0x1FC40, s8;
	s8 =	sadd.s32 $0x29A00, s11;
	s11 =	simm.s32 $0x4E20  }
.LBB2_1:
0xf: {  	[tilespmem:s2], [sflag:$0x1] =	stream.linear.gather [hbm4b:s6+s2], $0x2710, $0x38;
	[tilespmem:$0xEC60] =	vst v63  }
0x10: {  	_ = 	snop  }
0x11: {  	[tilespmem:s10], [sflag:$0x2] =	stream.linear.gather [hbm4b:s7+s2], $0x2710, $0x38;
	[tilespmem:$0xEC60] =	vst v63  }
0x12: {  	_ = 	snop  }
0x13: {  	[tilespmem:s11], [sflag:$0x3] =	stream.linear.gather [hbm4b:s3+s2], $0x2710, $0x38;
	[tilespmem:$0xEC60] =	vst v63  }
0x14: {  	_ = 	snop  }
0x15: {  	[tilespmem:s12], [sflag:$0x4] =	stream.linear.gather [hbm4b:s4+s2], $0x2710, $0x38;
	[tilespmem:$0xEC60] =	vst v63  }
0x16: {  	_ =	swait.ge [sflag:s13], $0x2710  }
0x17: {  	[sflag:s13] =	ssyncset.done $0x0  }
0x18: {  	[sflag:s13] =	ssyncadd.s32 $0xFFFFD8F0  }
0x19: {  	_ =	swait.ge [sflag:s14], $0x2710  }
0x1a: {  	[sflag:s14] =	ssyncset.done $0x0  }
0x1b: {  	[sflag:s14] =	ssyncadd.s32 $0xFFFFD8F0  }
0x1c: {  	[tilespmem:s16], [sflag:$0x1] =	stream.indirect.gather [hbm4b:s5+s15], $0x40, s2, s15, $0xb8;
	[tilespmem:$0xEC60] =	vst v63  }
0x1d: {  	_ = 	snop  }
0x1e: {  	[tilespmem:s17], [sflag:$0x2] =	stream.indirect.gather [hbm4b:s5+s15], $0x40, s10, s15, $0xb8;
	[tilespmem:$0xEC60] =	vst v63  }
0x1f: {  	_ =	swait.ge [sflag:s18], $0x2710  }
0x20: {  	[sflag:s18] =	ssyncset.done $0x0  }
0x21: {  	[sflag:s18] =	ssyncadd.s32 $0xFFFFD8F0  }
0x22: {  	_ =	swait.ge [sflag:s19], $0x2710  }
0x23: {  	v1 =	vimm.f32 $0.0e+00;
	v27 =	vimm.f32 $0.0e+00;
	[sflag:s19] =	ssyncset.done $0x0  }
0x24: {  	v22 =	vimm.f32 $0.0e+00;
	v41 =	vimm.f32 $0.0e+00;
	v0 =	vimm.f32 $0.0e+00;
	s25 =	simm.s32 $0x0;
	[sflag:s19] =	ssyncadd.s32 $0xFFFFD8F0  }
.LBB2_2:
0x25: {  	s26 =	smul.u32 $0xA0, s25;
	_ =	sdelay $0x1  }
0x26: {  	s28 =	sadd.s32 $0x50, s26  }
0x27: {  	[tilespmem:s20], [sflag:$0x3] =	stream.indirect.gather [hbm4b:s5+s15], $0x40, s28, s15, $0xb8;
	[tilespmem:$0xEC60] =	vst v63  }
0x28: {  	s29 =	sadd.s32 $0x2760, s26  }
0x29: {  	[tilespmem:s21], [sflag:$0x4] =	stream.indirect.gather [hbm4b:s5+s15], $0x40, s29, s15, $0xb8;
	[tilespmem:$0xEC60] =	vst v63  }
0x2a: {  	_ =	swait.ge [sflag:s13], $0x1400  }
0x2b: {  	[sflag:s13] =	ssyncset.done $0x0  }
0x2c: {  	[sflag:s13] =	ssyncadd.s32 $0xFFFFEC00  }
0x2d: {  	_ =	swait.ge [sflag:s14], $0x1400  }
0x2e: {  	[sflag:s14] =	ssyncset.done $0x0  }
0x2f: {  	[sflag:s14] =	ssyncadd.s32 $0xFFFFEC00  }
0x30: {  	v2 =	vld [tilespmem:s26+$0x0]  }
0x31: {  	v3 =	vld [tilespmem:s26+$0x2710]  }
0x32: {  	v4 =	vld [tilespmem:s26+$0x10]  }
0x33: {  	v5 =	vld [tilespmem:s26+$0x2720]  }
0x34: {  	v57 =	vld [tilespmem:s26+$0x30]  }
0x35: {  	v58 =	vld [tilespmem:s26+$0x2740]  }
0x36: {  	v6 =	vld [tilespmem:s26+$0x40]  }
0x37: {  	s30 =	simm.s32 $0x70;
	v7 =	vld [tilespmem:s26+$0x2750]  }
0x38: {  	v59 =	vld [tilespmem:s30+$0xAFF0]  }
0x39: {  	v60 =	vld [tilespmem:s30+$0x9BF0]  }
0x3a: {  	v61 =	vld [tilespmem:s30+$0x9BD0]  }
0x3b: {  	v62 =	vld [tilespmem:s30+$0x9C30]  }
0x3c: {  	v8 =	vld [tilespmem:s30+$0xAFD0]  }
0x3d: {  	v9 =	vld [tilespmem:s30+$0x9BE0]  }
0x3e: {  	v10 =	vld [tilespmem:s30+$0xAFE0]  }
0x3f: {  	v11 =	vld [tilespmem:s30+$0xB040]  }
0x40: {  	v13 =	vld [tilespmem:s30+$0x9C20]  }
0x41: {  	v14 =	vld [tilespmem:s30+$0xB020]  }
0x42: {  	v42 =	vld [tilespmem:s30+$0x9C00]  }
0x43: {  	v45 =	vld [tilespmem:s30+$0xB000]  }
0x44: {  	v46 =	vld [tilespmem:s30+$0x9C10]  }
0x45: {  	s29 =	simm.s32 $0xF0;
	v47 =	vld [tilespmem:s30+$0xB010]  }
0x46: {  	v12 =	vld [tilespmem:s29+$0x9C40]  }
0x47: {  	v48 =	vld [tilespmem:s29+$0xB030]  }
0x48: {  	v63 =	vld [tilespmem:s29+$0xAFF0]  }
0x49: {  	v44 =	vld [tilespmem:s29+$0xAFD0]  }
0x4a: {  	v53 =	vld [tilespmem:s29+$0x9C20]  }
0x4b: {  	v54 =	vld [tilespmem:s29+$0xB020]  }
0x4c: {  	v56 =	vsub.bf16 v13, v14;
	v13 =	vld [tilespmem:s29+$0x9BD0]  }
0x4d: {  	v37 =	vld.idx.msk [tilespmem:v2+s11+$0x0], $0xffff  }
0x4e: {  	v39 =	vld.idx.msk [tilespmem:v3+s11+$0x0], $0xffff  }
0x4f: {  	v38 =	vld.idx.msk [tilespmem:v2+s12+$0x0], $0xffff  }
0x50: {  	v40 =	vld.idx.msk [tilespmem:v3+s12+$0x0], $0xffff  }
0x51: {  	v2 =	vld [tilespmem:s26+$0x20]  }
0x52: {  	v3 =	vld [tilespmem:s26+$0x2730]  }
0x53: {  	v33 =	vld.idx.msk [tilespmem:v4+s11+$0x0], $0xffff  }
0x54: {  	v34 =	vld.idx.msk [tilespmem:v4+s12+$0x0], $0xffff  }
0x55: {  	v24 =	vld.idx.msk [tilespmem:v57+s11+$0x0], $0xffff  }
0x56: {  	v25 =	vld.idx.msk [tilespmem:v58+s11+$0x0], $0xffff  }
0x57: {  	v26 =	vld.idx.msk [tilespmem:v57+s12+$0x0], $0xffff  }
0x58: {  	v28 =	vld.idx.msk [tilespmem:v58+s12+$0x0], $0xffff  }
0x59: {  	v19 =	vld.idx.msk [tilespmem:v6+s11+$0x0], $0xffff  }
0x5a: {  	v20 =	vld.idx.msk [tilespmem:v7+s11+$0x0], $0xffff  }
0x5b: {  	v21 =	vld.idx.msk [tilespmem:v6+s12+$0x0], $0xffff  }
0x5c: {  	v31 =	vld.idx.msk [tilespmem:v3+s11+$0x0], $0xffff  }
0x5d: {  	v32 =	vld.idx.msk [tilespmem:v3+s12+$0x0], $0xffff  }
0x5e: {  	v3 =	vld [tilespmem:s30+$0xB030]  }
0x5f: {  	v29 =	vld.idx.msk [tilespmem:v2+s11+$0x0], $0xffff  }
0x60: {  	v50 =	vsub.bf16 v46, v47;
	v30 =	vld.idx.msk [tilespmem:v2+s12+$0x0], $0xffff  }
0x61: {  	v4 =	vsub.bf16 v60, v59;
	v6 =	vsub.bf16 v61, v8;
	v2 =	vld [tilespmem:s30+$0x9C40]  }
0x62: {  	v23 =	vld.idx.msk [tilespmem:v7+s12+$0x0], $0xffff;
	v58 =	vsub.bf16 v9, v10;
	v7 =	vmul.bf16 v56, v56;
	v60 =	vsub.bf16 v42, v45  }
0x63: {  	v59 =	vld [tilespmem:s29+$0x9C30];
	v4 =	vmul.bf16 v4, v4;
	v6 =	vmul.bf16 v6, v6;
	v3 =	vsub.bf16 v62, v3  }
0x64: {  	v57 =	vld [tilespmem:s29+$0x9BF0];
	v17 =	vand.u32 $0xFFFF0000, v7;
	v43 =	vshll.u32 v7, $0x10;
	v8 =	vmul.bf16 v58, v58  }
0x65: {  	v14 =	vld [tilespmem:s29+$0xB040];
	v49 =	vmul.bf16 v60, v60;
	v10 =	vand.u32 $0xFFFF0000, v4;
	v3 =	vmul.bf16 v3, v3  }
0x66: {  	v61 =	vld [tilespmem:s29+$0xAFE0];
	v55 =	vshll.u32 v6, $0x10;
	v6 =	vand.u32 $0xFFFF0000, v6;
	v2 =	vsub.bf16 v2, v11  }
0x67: {  	v51 =	vshll.u32 v4, $0x10;
	v18 =	vshll.u32 v3, $0x10;
	v15 =	vand.u32 $0xFFFF0000, v3;
	v3 =	vld [tilespmem:s29+$0x9BE0]  }
0x68: {  	v47 =	vld [tilespmem:s29+$0x9C00];
	v52 =	vshll.u32 v8, $0x10;
	v46 =	vsub.bf16 v59, v48;
	v2 =	vmul.bf16 v2, v2  }
0x69: {  	v35 =	vld.idx.msk [tilespmem:v5+s11+$0x0], $0xffff;
	v48 =	vmul.bf16 v50, v50;
	v62 =	vsub.bf16 v57, v63;
	v63 =	vand.u32 $0xFFFF0000, v8  }
0x6a: {  	v36 =	vld.idx.msk [tilespmem:v5+s12+$0x0], $0xffff;
	v16 =	vand.u32 $0xFFFF0000, v2;
	v42 =	vshll.u32 v2, $0x10;
	v2 =	vadd.f32 v6, v41  }
0x6b: {  	v50 =	vld [tilespmem:s29+$0xB000];
	v56 =	vadd.f32 v55, v27;
	v22 =	vadd.f32 v63, v22;
	v41 =	vmul.bf16 v62, v62  }
0x6c: {  	v27 =	vld [tilespmem:s29+$0x9C10];
	v55 =	vand.u32 $0xFFFF0000, v49;
	s30 =	simm.s32 $0x5C0;
	v57 =	vadd.f32 v10, v2;
	v45 =	vsub.bf16 v3, v61  }
.LBB2_3:
0x6d: {  	p0 =	sne.s32 s30, $0x4FC0;
	v2 =	vand.u32 $0xFFFF0000, v41;
	v3 =	vld [tilespmem:s29+$0xB010];
	s29 =	sshra.s32 s30, $0x2;
	s30 =	sadd.s32 $0x200, s30;
	v4 =	vsub.bf16 v12, v14;
	v5 =	vand.u32 $0xFFFF0000, v48  }
0x6e: {  	v7 =	vmul.bf16 v46, v46;
	v8 =	vshll.u32 v49, $0x10;
	v12 =	vld [tilespmem:s29+$0x9C40];
	v6 =	vsub.bf16 v53, v54  }
0x6f: {  	v10 =	vadd.f32 v51, v56;
	v5 =	vadd.f32 v5, v57;
	v9 =	vld [tilespmem:s29+$0xB030];
	v4 =	vmul.bf16 v4, v4  }
0x70: {  	v1 =	vadd.f32 v52, v1;
	v46 =	vshll.u32 v7, $0x10;
	v11 =	vld [tilespmem:s29+$0xAFF0];
	v6 =	vmul.bf16 v6, v6  }
0x71: {  	v14 =	vsub.bf16 v13, v44;
	v22 =	vadd.f32 v55, v22;
	v52 =	vld [tilespmem:s29+$0x9BF0];
	v51 =	vand.u32 $0xFFFF0000, v4  }
0x72: {  	v7 =	vand.u32 $0xFFFF0000, v7;
	v1 =	vadd.f32 v8, v1;
	v13 =	vld [tilespmem:s29+$0x9BD0];
	v44 =	vand.u32 $0xFFFF0000, v6  }
0x73: {  	v14 =	vmul.bf16 v14, v14;
	v22 =	vadd.f32 v17, v22;
	v6 =	vshll.u32 v6, $0x10;
	v8 =	vld [tilespmem:s29+$0x9C30];
	v17 =	vmovc v44  }
0x74: {  	v48 =	vshll.u32 v48, $0x10;
	v47 =	vsub.bf16 v47, v50;
	v5 =	vadd.f32 v15, v5;
	v15 =	vmovc v7;
	v44 =	vld [tilespmem:s29+$0xAFD0]  }
0x75: {  	v55 =	vshll.u32 v14, $0x10;
	v4 =	vshll.u32 v4, $0x10;
	v3 =	vsub.bf16 v27, v3;
	v7 =	vld [tilespmem:s29+$0x9BE0]  }
0x76: {  	v10 =	vadd.f32 v48, v10;
	v50 =	vand.u32 $0xFFFF0000, v14;
	v1 =	vadd.f32 v43, v1;
	v43 =	vmovc v6;
	v27 =	vld [tilespmem:s29+$0xAFE0]  }
0x77: {  	v49 =	vmul.bf16 v47, v47;
	v22 =	vadd.f32 v16, v22;
	v16 =	vmovc v51;
	v6 =	vmul.bf16 v45, v45;
	v14 =	vld [tilespmem:s29+$0xB040]  }
.Ltmp0:
0x78: {  	v5 =	vadd.f32 v50, v5;
	v51 =	vshll.u32 v41, $0x10;
	v1 =	vadd.f32 v42, v1;
	v42 =	vmovc v4;
	v53 =	vld [tilespmem:s29+$0x9C20];
	(pc) =	sbr.rel @p0 .LBB2_3-.Ltmp0, $4  }
0x79: {  	v10 =	vadd.f32 v18, v10;
	v18 =	vmovc v46;
	v4 =	vsub.bf16 v52, v11;
	v52 =	vshll.u32 v6, $0x10;
	v54 =	vld [tilespmem:s29+$0xB020]  }
0x7a: {  	v48 =	vmul.bf16 v3, v3;
	v6 =	vand.u32 $0xFFFF0000, v6;
	v46 =	vsub.bf16 v8, v9;
	v47 =	vld [tilespmem:s29+$0x9C00]  }
0x7b: {  	v56 =	vadd.f32 v55, v10;
	v41 =	vmul.bf16 v4, v4;
	v45 =	vsub.bf16 v7, v27;
	v50 =	vld [tilespmem:s29+$0xB000]  }
0x7c: {  	v57 =	vadd.f32 v2, v5;
	v55 =	vand.u32 $0xFFFF0000, v49;
	v22 =	vadd.f32 v6, v22;
	v27 =	vld [tilespmem:s29+$0x9C10]  }
0x7d: {  	s30 =	sadd.s32 $0xA0, s26  }
0x7e: {  	v58 =	vld [tilespmem:s29+$0xB010];
	[tilespmem:s16], [sflag:$0x1] =	stream.indirect.gather [hbm4b:s5+s15], $0x40, s30, s15, $0xb8  }
0x7f: {  	s31 =	sadd.s32 $0x27B0, s26  }
0x80: {  	[tilespmem:s17], [sflag:$0x2] =	stream.indirect.gather [hbm4b:s5+s15], $0x40, s31, s15, $0xb8;
	[tilespmem:$0xEC60] =	vst v63  }
0x81: {  	_ =	swait.ge [sflag:s18], $0x1400  }
0x82: {  	[sflag:s18] =	ssyncset.done $0x0  }
0x83: {  	[sflag:s18] =	ssyncadd.s32 $0xFFFFEC00  }
0x84: {  	_ =	swait.ge [sflag:s19], $0x1400  }
0x85: {  	[sflag:s19] =	ssyncset.done $0x0  }
0x86: {  	[sflag:s19] =	ssyncadd.s32 $0xFFFFEC00  }
0x87: {  	v2 =	vld [tilespmem:s26+$0x50]  }
0x88: {  	v3 =	vld [tilespmem:s28+$0x2710]  }
0x89: {  	v5 =	vld [tilespmem:s26+$0x60]  }
0x8a: {  	v6 =	vld [tilespmem:s26+$0x2770]  }
0x8b: {  	v59 =	vld [tilespmem:s26+$0x70]  }
0x8c: {  	v52 =	vadd.f32 v52, v1;
	v37 =	vmul.f32 v39, v37;
	v38 =	vmul.f32 v40, v38;
	v60 =	vld [tilespmem:s26+$0x2780]  }
0x8d: {  	v49 =	vshll.u32 v49, $0x10;
	v33 =	vmul.f32 v35, v33;
	v34 =	vmul.f32 v36, v34;
	v61 =	vld [tilespmem:s26+$0x80]  }
0x8e: {  	v49 =	vadd.f32 v49, v52;
	v37 =	vadd.f32 v38, v37;
	v62 =	vld [tilespmem:s26+$0x2790]  }
0x8f: {  	v29 =	vmul.f32 v31, v29;
	v33 =	vadd.f32 v34, v33;
	v63 =	vld [tilespmem:s26+$0x90];
	s28 =	simm.s32 $0x70  }
0x90: {  	v30 =	vmul.f32 v32, v30;
	v43 =	vadd.f32 v43, v49;
	v0 =	vadd.f32 v37, v0;
	v49 =	vld [tilespmem:s28+$0xC440]  }
0x91: {  	v51 =	vadd.f32 v51, v56;
	v24 =	vmul.f32 v25, v24;
	v22 =	vadd.f32 v55, v22;
	v55 =	vld [tilespmem:s28+$0xD7F0]  }
0x92: {  	v25 =	vmul.f32 v28, v26;
	v29 =	vadd.f32 v30, v29;
	v0 =	vadd.f32 v33, v0;
	v56 =	vld [tilespmem:s28+$0xC3F0]  }
0x93: {  	v1 =	vand.u32 $0xFFFF0000, v48;
	v22 =	vadd.f32 v17, v22;
	v17 =	vshll.u32 v48, $0x10;
	v48 =	vld [tilespmem:s28+$0xD840]  }
0x94: {  	v24 =	vadd.f32 v25, v24;
	v0 =	vadd.f32 v29, v0;
	v30 =	vld [tilespmem:s28+$0xC420]  }
0x95: {  	v26 =	vld [tilespmem:s28+$0xD820]  }
0x96: {  	v0 =	vadd.f32 v24, v0;
	v24 =	vld [tilespmem:s28+$0xD810]  }
0x97: {  	v8 =	vld.idx.msk [tilespmem:v2+s11+$0x0], $0xffff  }
0x98: {  	v9 =	vld.idx.msk [tilespmem:v3+s11+$0x0], $0xffff  }
0x99: {  	v10 =	vld.idx.msk [tilespmem:v2+s12+$0x0], $0xffff  }
0x9a: {  	v11 =	vld.idx.msk [tilespmem:v3+s12+$0x0], $0xffff  }
0x9b: {  	v2 =	vld.idx.msk [tilespmem:v5+s11+$0x0], $0xffff  }
0x9c: {  	v4 =	vld.idx.msk [tilespmem:v6+s11+$0x0], $0xffff  }
0x9d: {  	v5 =	vld.idx.msk [tilespmem:v5+s12+$0x0], $0xffff  }
0x9e: {  	v7 =	vld.idx.msk [tilespmem:v6+s12+$0x0], $0xffff  }
0x9f: {  	v6 =	vld.idx.msk [tilespmem:v60+s11+$0x0], $0xffff  }
0xa0: {  	v3 =	vld [tilespmem:s26+$0x27A0]  }
0xa1: {  	v57 =	vadd.f32 v1, v57;
	v1 =	vld.idx.msk [tilespmem:v61+s11+$0x0], $0xffff  }
0xa2: {  	v19 =	vmul.f32 v20, v19;
	v20 =	vmul.f32 v23, v21;
	[tilespmem:$0x1FFE0] =	vst v2;
	v2 =	vld.idx.msk [tilespmem:v59+s11+$0x0], $0xffff  }
0xa3: {  	v44 =	vsub.bf16 v13, v44;
	v13 =	vld.idx.msk [tilespmem:v62+s11+$0x0], $0xffff;
	s26 =	simm.s32 $0xF0  }
0xa4: {  	v19 =	vadd.f32 v20, v19;
	v36 =	vld [tilespmem:s26+$0xD7F0]  }
0xa5: {  	v25 =	vsub.bf16 v30, v26;
	v30 =	vld [tilespmem:s26+$0xC3F0]  }
0xa6: {  	v0 =	vadd.f32 v19, v0;
	v19 =	vsub.bf16 v56, v55;
	v56 =	vld [tilespmem:s26+$0xC430]  }
0xa7: {  	[tilespmem:$0x1FFF0] =	vst v2;
	v2 =	vsub.bf16 v12, v14;
	v12 =	vld.idx.msk [tilespmem:v59+s12+$0x0], $0xffff  }
0xa8: {  	v53 =	vsub.bf16 v53, v54;
	v14 =	vld.idx.msk [tilespmem:v60+s12+$0x0], $0xffff  }
0xa9: {  	v46 =	vmul.bf16 v46, v46;
	v47 =	vsub.bf16 v47, v50;
	v59 =	vadd.f32 v15, v57;
	v15 =	vld.idx.msk [tilespmem:v61+s12+$0x0], $0xffff  }
0xaa: {  	v45 =	vmul.bf16 v45, v45;
	v60 =	vsub.bf16 v27, v58;
	v27 =	vadd.f32 v17, v51;
	v17 =	vld.idx.msk [tilespmem:v62+s12+$0x0], $0xffff  }
0xab: {  	v44 =	vmul.bf16 v44, v44;
	v20 =	vshll.u32 v46, $0x10;
	v61 =	vadd.f32 v16, v22;
	v16 =	vld.idx.msk [tilespmem:v63+s11+$0x0], $0xffff  }
0xac: {  	v47 =	vmul.bf16 v47, v47;
	v42 =	vadd.f32 v42, v43;
	v30 =	vsub.bf16 v30, v36;
	v57 =	vld [tilespmem:s28+$0xC3D0]  }
0xad: {  	v22 =	vand.u32 $0xFFFF0000, v44;
	v44 =	vshll.u32 v44, $0x10;
	v62 =	vand.u32 $0xFFFF0000, v41;
	v51 =	vld [tilespmem:s28+$0xC400]  }
0xae: {  	v58 =	vand.u32 $0xFFFF0000, v47;
	v47 =	vshll.u32 v47, $0x10;
	v27 =	vadd.f32 v18, v27;
	v18 =	vld.idx.msk [tilespmem:v3+s11+$0x0], $0xffff  }
0xaf: {  	v50 =	vadd.f32 v22, v59;
	v22 =	vld.idx.msk [tilespmem:v63+s12+$0x0], $0xffff;
	v63 =	vand.u32 $0xFFFF0000, v45;
	v45 =	vshll.u32 v45, $0x10  }
0xb0: {  	v59 =	vld [tilespmem:s28+$0xC430];
	v2 =	vmul.bf16 v2, v2;
	v52 =	vadd.f32 v63, v61;
	v42 =	vadd.f32 v45, v42  }
0xb1: {  	v44 =	vadd.f32 v44, v27;
	v27 =	vld.idx.msk [tilespmem:v3+s12+$0x0], $0xffff;
	v3 =	vshll.u32 v41, $0x10;
	v41 =	vmul.bf16 v60, v60  }
0xb2: {  	v63 =	vld [tilespmem:s28+$0xD7E0];
	v43 =	vadd.f32 v62, v50;
	v60 =	vmul.bf16 v53, v53;
	v35 =	vadd.f32 v58, v52  }
0xb3: {  	v62 =	vld [tilespmem:s28+$0xC3E0];
	v50 =	vand.u32 $0xFFFF0000, v46;
	v42 =	vadd.f32 v47, v42;
	v3 =	vadd.f32 v3, v44  }
0xb4: {  	v53 =	vld [tilespmem:s28+$0xC410];
	v54 =	vand.u32 $0xFFFF0000, v41;
	v31 =	vand.u32 $0xFFFF0000, v60;
	v45 =	vshll.u32 v60, $0x10  }
0xb5: {  	v44 =	vld [tilespmem:s28+$0xD830];
	v28 =	vshll.u32 v41, $0x10;
	v39 =	vadd.f32 v54, v43;
	v31 =	vadd.f32 v31, v35  }
0xb6: {  	v21 =	vand.u32 $0xFFFF0000, v2;
	v52 =	vld [tilespmem:s28+$0xD800];
	v23 =	vadd.f32 v45, v42;
	v3 =	vadd.f32 v28, v3  }
0xb7: {  	v61 =	vld [tilespmem:s28+$0xD7D0];
	v2 =	vshll.u32 v2, $0x10;
	v33 =	vadd.f32 v50, v39;
	v46 =	vadd.f32 v21, v31  }
0xb8: {  	v29 =	vld [tilespmem:s26+$0xD7D0];
	v30 =	vmul.bf16 v30, v30;
	v31 =	vadd.f32 v2, v23;
	v23 =	vsub.bf16 v49, v48  }
0xb9: {  	v36 =	vld [tilespmem:s26+$0xD800];
	v35 =	vmul.bf16 v19, v19;
	v32 =	vsub.bf16 v62, v63;
	v62 =	vsub.bf16 v53, v24  }
0xba: {  	v58 =	vld [tilespmem:s26+$0xC3E0];
	v2 =	vadd.f32 v20, v3;
	v20 =	vsub.bf16 v59, v44;
	v55 =	vmul.bf16 v23, v23  }
0xbb: {  	v41 =	vld [tilespmem:s26+$0xC420];
	v23 =	vmul.bf16 v25, v25;
	v59 =	vsub.bf16 v51, v52;
	v32 =	vmul.bf16 v32, v32  }
0xbc: {  	v3 =	vld [tilespmem:s26+$0xD830];
	v34 =	vmul.bf16 v62, v62;
	v54 =	vmul.bf16 v20, v20;
	v20 =	vsub.bf16 v57, v61  }
0xbd: {  	v57 =	vand.u32 $0xFFFF0000, v35;
	v26 =	vand.u32 $0xFFFF0000, v23;
	v23 =	vshll.u32 v23, $0x10;
	v61 =	vld [tilespmem:s26+$0xD7E0]  }
0xbe: {  	v21 =	vld [tilespmem:s26+$0xC440];
	v24 =	vshll.u32 v55, $0x10;
	v38 =	vmul.bf16 v59, v59;
	v37 =	vmul.bf16 v20, v20  }
0xbf: {  	v39 =	vld [tilespmem:s26+$0xD840];
	v40 =	vshll.u32 v32, $0x10;
	v19 =	vshll.u32 v54, $0x10;
	v20 =	vand.u32 $0xFFFF0000, v55  }
0xc0: {  	v42 =	vld [tilespmem:s26+$0xD820];
	v25 =	vand.u32 $0xFFFF0000, v54;
	v60 =	vshll.u32 v37, $0x10;
	v37 =	vand.u32 $0xFFFF0000, v37  }
0xc1: {  	v28 =	vld [tilespmem:s26+$0xC3D0];
	v44 =	vsub.bf16 v56, v3;
	v3 =	vand.u32 $0xFFFF0000, v32;
	v63 =	vadd.f32 v37, v33  }
0xc2: {  	v43 =	vadd.f32 v3, v46;
	v46 =	vand.u32 $0xFFFF0000, v38;
	v33 =	vld [tilespmem:s26+$0xC400];
	v32 =	vsub.bf16 v58, v61  }
0xc3: {  	s28 =	simm.s32 $0x5C0;
	v37 =	vshll.u32 v35, $0x10;
	v45 =	vadd.f32 v60, v2;
	v35 =	vld [tilespmem:s26+$0xC410];
	v47 =	vadd.f32 v57, v63  }
.LBB2_5:
0xc4: {  	p0 =	sne.s32 s28, $0x4FC0;
	v2 =	vand.u32 $0xFFFF0000, v30;
	v3 =	vld [tilespmem:s26+$0xD810];
	s26 =	sshra.s32 s28, $0x2;
	s28 =	sadd.s32 $0x200, s28;
	v39 =	vsub.bf16 v21, v39;
	v48 =	vand.u32 $0xFFFF0000, v34  }
0xc5: {  	v38 =	vshll.u32 v38, $0x10;
	v21 =	vld [tilespmem:s26+$0xC440];
	v41 =	vsub.bf16 v41, v42;
	v42 =	vmul.bf16 v44, v44  }
0xc6: {  	v37 =	vadd.f32 v37, v45;
	v45 =	vadd.f32 v48, v47;
	v44 =	vld [tilespmem:s26+$0xD830];
	v39 =	vmul.bf16 v39, v39  }
0xc7: {  	v31 =	vadd.f32 v40, v31;
	v47 =	vld [tilespmem:s26+$0xD7F0];
	v41 =	vmul.bf16 v41, v41;
	v48 =	vshll.u32 v42, $0x10  }
0xc8: {  	v29 =	vsub.bf16 v28, v29;
	v43 =	vadd.f32 v46, v43;
	v40 =	vld [tilespmem:s26+$0xC3F0];
	v49 =	vand.u32 $0xFFFF0000, v39  }
0xc9: {  	v31 =	vadd.f32 v38, v31;
	v42 =	vand.u32 $0xFFFF0000, v42;
	v28 =	vld [tilespmem:s26+$0xC3D0];
	v46 =	vand.u32 $0xFFFF0000, v41  }
0xca: {  	v38 =	vmul.bf16 v29, v29;
	v43 =	vadd.f32 v26, v43;
	v41 =	vshll.u32 v41, $0x10;
	v50 =	vld [tilespmem:s26+$0xC430];
	v26 =	vmovc v46  }
0xcb: {  	v34 =	vshll.u32 v34, $0x10;
	v33 =	vsub.bf16 v33, v36;
	v36 =	vadd.f32 v25, v45;
	v25 =	vmovc v42;
	v29 =	vld [tilespmem:s26+$0xD7D0]  }
0xcc: {  	v3 =	vsub.bf16 v35, v3;
	v35 =	vshll.u32 v39, $0x10;
	v46 =	vshll.u32 v38, $0x10;
	v45 =	vld [tilespmem:s26+$0xC3E0]  }
0xcd: {  	v34 =	vadd.f32 v34, v37;
	v42 =	vand.u32 $0xFFFF0000, v38;
	v31 =	vadd.f32 v23, v31;
	v23 =	vmovc v41;
	v51 =	vld [tilespmem:s26+$0xD7E0]  }
0xce: {  	v32 =	vmul.bf16 v32, v32;
	v43 =	vadd.f32 v20, v43;
	v20 =	vmovc v49;
	v38 =	vmul.bf16 v33, v33;
	v39 =	vld [tilespmem:s26+$0xD840]  }
.Ltmp1:
0xcf: {  	v37 =	vshll.u32 v30, $0x10;
	v49 =	vadd.f32 v42, v36;
	v31 =	vadd.f32 v24, v31;
	v24 =	vmovc v35;
	v41 =	vld [tilespmem:s26+$0xC420];
	(pc) =	sbr.rel @p0 .LBB2_5-.Ltmp1, $4  }
0xd0: {  	v35 =	vadd.f32 v19, v34;
	v19 =	vmovc v48;
	v30 =	vsub.bf16 v40, v47;
	v40 =	vshll.u32 v32, $0x10;
	v42 =	vld [tilespmem:s26+$0xD820]  }
0xd1: {  	v34 =	vmul.bf16 v3, v3;
	v47 =	vand.u32 $0xFFFF0000, v32;
	v44 =	vsub.bf16 v50, v44;
	v33 =	vld [tilespmem:s26+$0xC400]  }
0xd2: {  	v30 =	vmul.bf16 v30, v30;
	v32 =	vsub.bf16 v45, v51;
	v36 =	vld [tilespmem:s26+$0xD800];
	v45 =	vadd.f32 v46, v35  }
0xd3: {  	v43 =	vadd.f32 v47, v43;
	v47 =	vadd.f32 v2, v49;
	v46 =	vand.u32 $0xFFFF0000, v38;
	v35 =	vld [tilespmem:s26+$0xC410]  }
0xd4: {  	v2 =	vand.u32 $0xFFFF0000, v30;
	v21 =	vsub.bf16 v21, v39  }
0xd5: {  	v61 =	vand.u32 $0xFFFF0000, v34;
	v38 =	vshll.u32 v38, $0x10;
	v31 =	vadd.f32 v40, v31  }
0xd6: {  	v28 =	vsub.bf16 v28, v29;
	v8 =	vmul.f32 v9, v8;
	v5 =	vmul.f32 v7, v5  }
0xd7: {  	v37 =	vadd.f32 v37, v45;
	v53 =	vmul.f32 v14, v12;
	v1 =	vmul.f32 v13, v1  }
0xd8: {  	v57 =	vmul.f32 v17, v15;
	v59 =	vmul.f32 v27, v22;
	v3 =	vsub.bf16 v41, v42  }
0xd9: {  	v42 =	vmul.bf16 v44, v44;
	v29 =	vadd.f32 v46, v43;
	v44 =	vmul.bf16 v32, v32  }
0xda: {  	v39 =	vadd.f32 v61, v47;
	v46 =	vmul.f32 v11, v10;
	v21 =	vmul.bf16 v21, v21  }
0xdb: {  	v62 =	vld [tilespmem:s26+$0xD810];
	v31 =	vadd.f32 v38, v31;
	v28 =	vmul.bf16 v28, v28;
	v1 =	vadd.f32 v57, v1  }
0xdc: {  	v38 =	vshll.u32 v34, $0x10;
	v26 =	vadd.f32 v26, v29;
	v29 =	vsub.bf16 v33, v36  }
0xdd: {  	v49 =	vld [tilespmem:$0x1FFE0];
	v3 =	vmul.bf16 v3, v3;
	v25 =	vadd.f32 v25, v39;
	v33 =	vadd.f32 v38, v37  }
0xde: {  	v8 =	vadd.f32 v46, v8;
	v54 =	vand.u32 $0xFFFF0000, v42;
	v43 =	vshll.u32 v28, $0x10  }
0xdf: {  	v28 =	vand.u32 $0xFFFF0000, v28;
	v23 =	vadd.f32 v23, v31;
	v63 =	vand.u32 $0xFFFF0000, v3  }
0xe0: {  	v35 =	vsub.bf16 v35, v62;
	v29 =	vmul.bf16 v29, v29;
	v20 =	vadd.f32 v20, v26  }
0xe1: {  	v52 =	vld [tilespmem:$0x1FFF0];
	v25 =	vadd.f32 v28, v25;
	v26 =	vshll.u32 v30, $0x10;
	v19 =	vadd.f32 v19, v33  }
0xe2: {  	v28 =	vand.u32 $0xFFFF0000, v44;
	v4 =	vmul.f32 v4, v49;
	v0 =	vadd.f32 v8, v0  }
0xe3: {  	v3 =	vshll.u32 v3, $0x10;
	v23 =	vadd.f32 v24, v23;
	v24 =	vshll.u32 v44, $0x10  }
0xe4: {  	v45 =	vmul.bf16 v35, v35;
	v19 =	vadd.f32 v43, v19;
	v47 =	vadd.f32 v28, v20  }
0xe5: {  	v2 =	vadd.f32 v2, v25;
	v48 =	vand.u32 $0xFFFF0000, v29;
	v4 =	vadd.f32 v5, v4  }
0xe6: {  	v5 =	vmul.f32 v6, v52;
	v51 =	vadd.f32 v24, v23;
	v19 =	vadd.f32 v26, v19  }
0xe7: {  	v20 =	vand.u32 $0xFFFF0000, v45;
	v10 =	vadd.f32 v48, v47;
	v0 =	vadd.f32 v4, v0  }
0xe8: {  	s25 =	sadd.s32 $0x1, s25;
	v50 =	vshll.u32 v29, $0x10;
	v55 =	vadd.f32 v53, v5;
	v2 =	vadd.f32 v20, v2  }
0xe9: {  	p0 =	sne.s32 s25, $0x3E;
	v58 =	vshll.u32 v45, $0x10;
	v7 =	vadd.f32 v50, v51;
	v56 =	vadd.f32 v63, v10  }
.Ltmp2:
0xea: {  	v0 =	vadd.f32 v55, v0;
	v41 =	vadd.f32 v54, v2;
	v2 =	vmul.f32 v18, v16;
	(pc) =	sbr.rel @p0 .LBB2_2-.Ltmp2, $4  }
0xeb: {  	v60 =	vand.u32 $0xFFFF0000, v21;
	v61 =	vadd.f32 v58, v19;
	v3 =	vadd.f32 v3, v7  }
0xec: {  	v63 =	vshll.u32 v42, $0x10;
	v0 =	vadd.f32 v1, v0;
	v2 =	vadd.f32 v59, v2  }
0xed: {  	v62 =	vshll.u32 v21, $0x10;
	v22 =	vadd.f32 v60, v56;
	v27 =	vadd.f32 v63, v61  }
0xee: {  	v1 =	vadd.f32 v62, v3;
	v0 =	vadd.f32 v2, v0  }
0xef: {  	_ =	swait.ge [sflag:s13], $0x1400  }
0xf0: {  	[sflag:s13] =	ssyncset.done $0x0  }
0xf1: {  	[sflag:s13] =	ssyncadd.s32 $0xFFFFEC00  }
0xf2: {  	_ =	swait.ge [sflag:s14], $0x1400  }
0xf3: {  	[sflag:s14] =	ssyncset.done $0x0  }
0xf4: {  	[sflag:s14] =	ssyncadd.s32 $0xFFFFEC00  }
0xf5: {  	v2 =	vld [tilespmem:$0x26C0]  }
0xf6: {  	v3 =	vld [tilespmem:$0x4DD0]  }
0xf7: {  	v4 =	vld [tilespmem:$0x26D0]  }
0xf8: {  	v5 =	vld [tilespmem:$0x4DE0]  }
0xf9: {  	v6 =	vld [tilespmem:$0x4E00]  }
0xfa: {  	v23 =	vld [tilespmem:$0x2700]  }
0xfb: {  	s26 =	simm.s32 $0x70;
	v24 =	vld [tilespmem:$0x4E10]  }
0xfc: {  	v25 =	vld [tilespmem:s26+$0xAFF0]  }
0xfd: {  	v26 =	vld [tilespmem:s26+$0x9BF0]  }
0xfe: {  	v28 =	vld [tilespmem:s26+$0x9BD0]  }
0xff: {  	v30 =	vld [tilespmem:s26+$0x9C30]  }
0x100: {  	v31 =	vld [tilespmem:s26+$0xAFD0]  }
0x101: {  	v32 =	vld [tilespmem:s26+$0x9BE0]  }
0x102: {  	v33 =	vld [tilespmem:s26+$0xAFE0]  }
0x103: {  	v34 =	vld [tilespmem:s26+$0xB040]  }
0x104: {  	v35 =	vld [tilespmem:s26+$0x9C20]  }
0x105: {  	v36 =	vld [tilespmem:s26+$0xB020]  }
0x106: {  	v37 =	vld [tilespmem:s26+$0x9C00]  }
0x107: {  	v38 =	vld [tilespmem:s26+$0xB000]  }
0x108: {  	v39 =	vld [tilespmem:s26+$0x9C10]  }
0x109: {  	s25 =	simm.s32 $0xF0;
	v40 =	vld [tilespmem:s26+$0xB010]  }
0x10a: {  	v29 =	vld [tilespmem:s25+$0x9C40]  }
0x10b: {  	v44 =	vld [tilespmem:s25+$0xB030]  }
0x10c: {  	v45 =	vld [tilespmem:s25+$0xAFF0]  }
0x10d: {  	v58 =	vld [tilespmem:s25+$0x9BF0]  }
0x10e: {  	v46 =	vld [tilespmem:s25+$0x9C30]  }
0x10f: {  	v16 =	vld.idx.msk [tilespmem:v2+s11+$0x0], $0xffff  }
0x110: {  	v18 =	vld.idx.msk [tilespmem:v3+s11+$0x0], $0xffff  }
0x111: {  	v19 =	vld.idx.msk [tilespmem:v2+s12+$0x0], $0xffff  }
0x112: {  	v21 =	vld.idx.msk [tilespmem:v3+s12+$0x0], $0xffff  }
0x113: {  	v2 =	vld [tilespmem:$0x26E0]  }
0x114: {  	v3 =	vld [tilespmem:$0x4DF0]  }
0x115: {  	v10 =	vld.idx.msk [tilespmem:v4+s11+$0x0], $0xffff  }
0x116: {  	v12 =	vld.idx.msk [tilespmem:v5+s11+$0x0], $0xffff  }
0x117: {  	v13 =	vld.idx.msk [tilespmem:v4+s12+$0x0], $0xffff  }
0x118: {  	v15 =	vld.idx.msk [tilespmem:v5+s12+$0x0], $0xffff  }
0x119: {  	v4 =	vld [tilespmem:$0x26F0]  }
0x11a: {  	v7 =	vld.idx.msk [tilespmem:v6+s11+$0x0], $0xffff  }
0x11b: {  	v9 =	vld.idx.msk [tilespmem:v6+s12+$0x0], $0xffff  }
0x11c: {  	v6 =	vld.idx.msk [tilespmem:v24+s12+$0x0], $0xffff  }
0x11d: {  	v11 =	vld.idx.msk [tilespmem:v2+s11+$0x0], $0xffff  }
0x11e: {  	v14 =	vld.idx.msk [tilespmem:v3+s11+$0x0], $0xffff  }
0x11f: {  	v17 =	vld.idx.msk [tilespmem:v2+s12+$0x0], $0xffff  }
0x120: {  	v20 =	vld.idx.msk [tilespmem:v3+s12+$0x0], $0xffff  }
0x121: {  	v3 =	vld.idx.msk [tilespmem:v24+s11+$0x0], $0xffff  }
0x122: {  	v24 =	vld [tilespmem:s26+$0xB030]  }
0x123: {  	v5 =	vld.idx.msk [tilespmem:v4+s11+$0x0], $0xffff  }
0x124: {  	v25 =	vsub.bf16 v26, v25;
	v8 =	vld.idx.msk [tilespmem:v4+s12+$0x0], $0xffff  }
0x125: {  	v26 =	vsub.bf16 v35, v36;
	v33 =	vsub.bf16 v32, v33;
	v2 =	vld.idx.msk [tilespmem:v23+s11+$0x0], $0xffff  }
0x126: {  	v37 =	vsub.bf16 v37, v38;
	v51 =	vsub.bf16 v39, v40;
	v4 =	vld.idx.msk [tilespmem:v23+s12+$0x0], $0xffff  }
0x127: {  	v62 =	vsub.bf16 v58, v45;
	v23 =	vld [tilespmem:s26+$0x9C40];
	v24 =	vsub.bf16 v30, v24  }
0x128: {  	v48 =	vld [tilespmem:s25+$0x9BE0];
	v45 =	vsub.bf16 v46, v44;
	v59 =	vmul.bf16 v25, v25;
	v26 =	vmul.bf16 v26, v26  }
0x129: {  	v50 =	vld [tilespmem:s25+$0xAFE0];
	v33 =	vmul.bf16 v33, v33;
	v25 =	vmul.bf16 v24, v24;
	v24 =	vsub.bf16 v28, v31  }
0x12a: {  	v43 =	vld [tilespmem:s25+$0x9C20];
	v38 =	vmul.bf16 v37, v37;
	v36 =	vmul.bf16 v51, v51;
	v47 =	vand.u32 $0xFFFF0000, v59  }
0x12b: {  	v32 =	vld [tilespmem:s25+$0xAFD0];
	v39 =	vshll.u32 v59, $0x10;
	v40 =	vshll.u32 v33, $0x10;
	v42 =	vmul.bf16 v24, v24  }
0x12c: {  	v35 =	vld [tilespmem:s25+$0x9C00];
	v63 =	vand.u32 $0xFFFF0000, v33;
	v33 =	vmul.bf16 v62, v62;
	v23 =	vsub.bf16 v23, v34  }
0x12d: {  	v44 =	vand.u32 $0xFFFF0000, v38;
	v49 =	vshll.u32 v42, $0x10;
	v61 =	vand.u32 $0xFFFF0000, v42;
	v42 =	vld [tilespmem:s25+$0xB040]  }
0x12e: {  	v22 =	vadd.f32 v63, v22;
	v60 =	vmul.bf16 v23, v23;
	v52 =	vadd.f32 v61, v41;
	v41 =	vld [tilespmem:s25+$0xB020]  }
0x12f: {  	v37 =	vld [tilespmem:s25+$0xB000];
	v30 =	vand.u32 $0xFFFF0000, v26;
	v34 =	vsub.bf16 v48, v50;
	v23 =	vshll.u32 v25, $0x10  }
0x130: {  	v31 =	vld [tilespmem:s25+$0x9BD0];
	v24 =	vand.u32 $0xFFFF0000, v60;
	v28 =	vand.u32 $0xFFFF0000, v25;
	v25 =	vshll.u32 v26, $0x10  }
0x131: {  	s26 =	simm.s32 $0x5C0;
	v26 =	vshll.u32 v60, $0x10;
	v46 =	vadd.f32 v49, v27;
	v27 =	vld [tilespmem:s25+$0x9C10];
	v47 =	vadd.f32 v47, v52  }
.LBB2_8:
0x132: {  	p0 =	sne.s32 s26, $0x4FC0;
	v48 =	vand.u32 $0xFFFF0000, v33;
	v49 =	vld [tilespmem:s25+$0xB010];
	s25 =	sshra.s32 s26, $0x2;
	s26 =	sadd.s32 $0x200, s26;
	v42 =	vsub.bf16 v29, v42;
	v50 =	vand.u32 $0xFFFF0000, v36  }
0x133: {  	v38 =	vshll.u32 v38, $0x10;
	v29 =	vld [tilespmem:s25+$0x9C40];
	v41 =	vsub.bf16 v43, v41;
	v43 =	vmul.bf16 v45, v45  }
0x134: {  	v39 =	vadd.f32 v39, v46;
	v46 =	vadd.f32 v50, v47;
	v45 =	vld [tilespmem:s25+$0xB030];
	v42 =	vmul.bf16 v42, v42  }
0x135: {  	v1 =	vadd.f32 v40, v1;
	v47 =	vld [tilespmem:s25+$0xAFF0];
	v41 =	vmul.bf16 v41, v41;
	v50 =	vshll.u32 v43, $0x10  }
0x136: {  	v32 =	vsub.bf16 v31, v32;
	v22 =	vadd.f32 v44, v22;
	v40 =	vld [tilespmem:s25+$0x9BF0];
	v51 =	vand.u32 $0xFFFF0000, v42  }
0x137: {  	v1 =	vadd.f32 v38, v1;
	v43 =	vand.u32 $0xFFFF0000, v43;
	v31 =	vld [tilespmem:s25+$0x9BD0];
	v44 =	vand.u32 $0xFFFF0000, v41  }
0x138: {  	v38 =	vmul.bf16 v32, v32;
	v22 =	vadd.f32 v30, v22;
	v41 =	vshll.u32 v41, $0x10;
	v52 =	vld [tilespmem:s25+$0x9C30];
	v30 =	vmovc v44  }
0x139: {  	v36 =	vshll.u32 v36, $0x10;
	v35 =	vsub.bf16 v35, v37;
	v37 =	vadd.f32 v28, v46;
	v28 =	vmovc v43;
	v32 =	vld [tilespmem:s25+$0xAFD0]  }
0x13a: {  	v46 =	vshll.u32 v38, $0x10;
	v27 =	vsub.bf16 v27, v49;
	v49 =	vshll.u32 v42, $0x10;
	v44 =	vld [tilespmem:s25+$0x9BE0]  }
0x13b: {  	v36 =	vadd.f32 v36, v39;
	v54 =	vand.u32 $0xFFFF0000, v38;
	v1 =	vadd.f32 v25, v1;
	v25 =	vmovc v41;
	v53 =	vld [tilespmem:s25+$0xAFE0]  }
0x13c: {  	v34 =	vmul.bf16 v34, v34;
	v38 =	vmul.bf16 v35, v35;
	v22 =	vadd.f32 v24, v22;
	v24 =	vmovc v51;
	v42 =	vld [tilespmem:s25+$0xB040]  }
.Ltmp3:
0x13d: {  	v39 =	vshll.u32 v33, $0x10;
	v51 =	vadd.f32 v54, v37;
	v1 =	vadd.f32 v26, v1;
	v26 =	vmovc v49;
	v43 =	vld [tilespmem:s25+$0x9C20];
	(pc) =	sbr.rel @p0 .LBB2_8-.Ltmp3, $4  }
0x13e: {  	v33 =	vsub.bf16 v40, v47;
	v40 =	vshll.u32 v34, $0x10;
	v47 =	vadd.f32 v23, v36;
	v23 =	vmovc v50;
	v41 =	vld [tilespmem:s25+$0xB020]  }
0x13f: {  	v49 =	vand.u32 $0xFFFF0000, v34;
	v36 =	vmul.bf16 v27, v27;
	v45 =	vsub.bf16 v52, v45;
	v35 =	vld [tilespmem:s25+$0x9C00]  }
0x140: {  	v33 =	vmul.bf16 v33, v33;
	v46 =	vadd.f32 v46, v47;
	v34 =	vsub.bf16 v44, v53;
	v37 =	vld [tilespmem:s25+$0xB000]  }
0x141: {  	v22 =	vadd.f32 v49, v22;
	v47 =	vadd.f32 v48, v51;
	v44 =	vand.u32 $0xFFFF0000, v38;
	v27 =	vld [tilespmem:s25+$0x9C10]  }
0x142: {  	v48 =	vand.u32 $0xFFFF0000, v33;
	v29 =	vsub.bf16 v29, v42  }
0x143: {  	v55 =	vand.u32 $0xFFFF0000, v36;
	v56 =	vmul.bf16 v45, v45;
	v38 =	vshll.u32 v38, $0x10  }
0x144: {  	v39 =	vadd.f32 v39, v46;
	v62 =	vshll.u32 v36, $0x10;
	v36 =	vmul.bf16 v34, v34  }
0x145: {  	v1 =	vadd.f32 v40, v1;
	v16 =	vmul.f32 v18, v16;
	v10 =	vmul.f32 v12, v10  }
0x146: {  	v31 =	vsub.bf16 v31, v32;
	v50 =	vmul.f32 v15, v13;
	v11 =	vmul.f32 v14, v11  }
0x147: {  	v53 =	vmul.f32 v20, v17;
	v5 =	vmul.f32 v7, v5;
	v41 =	vsub.bf16 v43, v41  }
0x148: {  	v2 =	vmul.f32 v3, v2;
	v58 =	vadd.f32 v55, v47;
	v22 =	vadd.f32 v44, v22  }
0x149: {  	v47 =	vmul.f32 v21, v19;
	v29 =	vmul.bf16 v29, v29;
	v40 =	vshll.u32 v56, $0x10  }
0x14a: {  	v57 =	vld [tilespmem:s25+$0xB010];
	v1 =	vadd.f32 v38, v1;
	v31 =	vmul.bf16 v31, v31;
	v60 =	vand.u32 $0xFFFF0000, v56  }
0x14b: {  	v44 =	vshll.u32 v36, $0x10;
	v10 =	vadd.f32 v50, v10;
	v22 =	vadd.f32 v30, v22  }
0x14c: {  	v41 =	vmul.bf16 v41, v41;
	v61 =	vsub.bf16 v35, v37;
	v28 =	vadd.f32 v28, v58  }
0x14d: {  	v35 =	vadd.f32 v62, v39;
	v39 =	vshll.u32 v33, $0x10;
	v16 =	vadd.f32 v47, v16  }
0x14e: {  	v58 =	vmul.f32 v9, v8;
	v63 =	vshll.u32 v31, $0x10;
	v31 =	vand.u32 $0xFFFF0000, v31  }
0x14f: {  	v1 =	vadd.f32 v25, v1;
	v25 =	vand.u32 $0xFFFF0000, v36;
	v27 =	vsub.bf16 v27, v57  }
0x150: {  	v54 =	vand.u32 $0xFFFF0000, v29;
	v22 =	vadd.f32 v24, v22;
	v28 =	vadd.f32 v31, v28  }
0x151: {  	v59 =	vand.u32 $0xFFFF0000, v41;
	v23 =	vadd.f32 v23, v35;
	v0 =	vadd.f32 v16, v0  }
0x152: {  	v37 =	vmul.bf16 v61, v61;
	v57 =	vadd.f32 v53, v11;
	v5 =	vadd.f32 v58, v5  }
0x153: {  	v56 =	vshll.u32 v41, $0x10;
	v1 =	vadd.f32 v26, v1;
	v23 =	vadd.f32 v63, v23  }
0x154: {  	v43 =	vmul.bf16 v27, v27;
	v22 =	vadd.f32 v25, v22;
	v45 =	vadd.f32 v48, v28  }
0x155: {  	v48 =	vand.u32 $0xFFFF0000, v37;
	v0 =	vadd.f32 v10, v0;
	v1 =	vadd.f32 v44, v1  }
0x156: {  	v24 =	vshll.u32 v37, $0x10;
	v23 =	vadd.f32 v39, v23;
	v19 =	vadd.f32 v48, v22  }
0x157: {  	v46 =	vand.u32 $0xFFFF0000, v43;
	v0 =	vadd.f32 v57, v0;
	v1 =	vadd.f32 v24, v1  }
0x158: {  	v52 =	vshll.u32 v43, $0x10;
	v49 =	vadd.f32 v46, v45;
	v51 =	vadd.f32 v59, v19  }
0x159: {  	v61 =	vmul.f32 v6, v4;
	v15 =	vadd.f32 v52, v23;
	v1 =	vadd.f32 v56, v1  }
0x15a: {  	v59 =	vshll.u32 v29, $0x10;
	v55 =	vadd.f32 v60, v49;
	v60 =	vadd.f32 v54, v51  }
0x15b: {  	v62 =	vadd.f32 v40, v15;
	v1 =	vadd.f32 v59, v1  }
0x15c: {  	v2 =	vadd.f32 v61, v2;
	v0 =	vadd.f32 v5, v0  }
0x15d: {  	v63 =	vadd.f32 v60, v55;
	v1 =	vadd.f32 v1, v62  }
0x15e: {  	v0 =	vadd.f32 v2, v0  }
0x15f: {  	s24 =	sadd.s32 $0x1, s24;
	v1 =	vadd.f32 v1, v63  }
0x160: {  	p0 =	sne.s32 s24, s9;
	[tilespmem:$0xEC40] =	vst v0  }
.Ltmp4:
0x161: {  	[tilespmem:$0xEC50] =	vst v1;
	(pc) =	sbr.rel @p0 .LBB2_1-.Ltmp4, $4  }
0x162: {  	[hbm4b:s8+s2] =	stream.linear.scatter [tilespmem:s22], [sflag:$0x5], $0x20, $0x38;
	[tilespmem:$0xEC60] =	vst v63  }
0x163: {  	_ =	swait.ge [sflag:s23], $0x20  }
0x164: {  	[sflag:s23] =	ssyncset.done $0x0  }
0x165: {  	[sflag:s23] =	ssyncadd.s32 $0xFFFFFFE0  }
0x166: {  	_ =	sfence.sel $0x180000  }
0x167: {  	[bflag:$0x0] =	sbarrier.arrive $0xFFFF  }
0x168: {  	p0 =	sne.s32 s0, $0x0;
	_ =	strace $0x90000047  }
0x169: {  	s0 =	sadd.s32 @!p0 $0x100000, s1;
	[bflag:$0x2] =	sbarrier.arrive $0xFFFF  }
0x16a: {  	[sflag:s0] =	ssyncadd.tile.s32 @!p0 $0x1;
	_ =	shalt  }
.Lfunc_end2:
_tile_overlayer_lowered:
.L_overlay_start_2:
0x16b: {  	(tag) =	ssettag $0x2  }
0x16c: {  	s0 =	rddreg [dreg:$0x0];
	s2 =	stileid.u32  }
0x16d: {  	s1 =	rddreg [dreg:$0x1];
	p0 =	sne.s32 s2, $0x0  }
0x16e: {  	s3 =	rddreg [dreg:$0x2];
	[bflag:$0x3] =	sbarrier.arrive $0xFFFF;
	s2 =	simm.s32 @!p0 $0x1C05  }
0x16f: {  	[timem:s3], [sflag:s2] =	dma.local @!p0 [hbm:s0], s1  }
0x170: {  	s0 =	simm.s32 @!p0 $0x5  }
0x171: {  	_ =	swait.ge @!p0 [sflag:s0], s1  }
0x172: {  	s1 =	ssub.s32 @!p0 $0x0, s1;
	[sflag:s0] =	ssyncset.done @!p0 $0x0  }
0x173: {  	[sflag:s0] =	ssyncadd.s32 @!p0 s1  }
0x174: {  	[bflag:$0x3] =	sbarrier.arrive $0xFFFF  }
0x175: {  	_ =	shalt  }

</sc_bundles>
